<compile_context>
chip_gen: v7x
topology: tpu7x:2x2x1
jax: 0.10.2.dev20260603
libtpu: 0.0.44.dev20260713+nightly
codegen_flags: <defaults>
</compile_context>

<pallas_src>
import functools

import jax
import jax.numpy as jnp
from jax import lax
from jax.experimental import pallas as pl
from jax.experimental.pallas import tpu as pltpu
from jax.experimental.pallas import tpu_sc as plsc

NC = 2
NS = 16
NW = NC * NS
CH = 128
D = 128


def _sc_mesh():
    return plsc.VectorSubcoreMesh(
        core_axis_name="c", subcore_axis_name="s", num_cores=NC, num_subcores=NS
    )


def _sc_degree(dst_p, zeros, ones128, n_acc, cpt):
    rpt = n_acc // NS

    @functools.partial(
        pl.kernel,
        out_type=jax.ShapeDtypeStruct((NC * n_acc, D), jnp.float32),
        mesh=_sc_mesh(),
        scratch_types=[
            pltpu.VMEM((CH,), jnp.int32),
            pltpu.VMEM((CH, D), jnp.float32),
            pltpu.VMEM_SHARED((n_acc, D), jnp.float32),
        ],
    )
    def deg_kernel(dst_hbm, z_hbm, ones_hbm, out_hbm, idx_v, ones_v, acc_sh):
        cid = lax.axis_index("c")
        sid = lax.axis_index("s")
        wid = cid * NS + sid
        r0 = sid * rpt

        pltpu.sync_copy(ones_hbm, ones_v)
        pltpu.sync_copy(z_hbm.at[pl.ds(r0, rpt)], acc_sh.at[pl.ds(r0, rpt)])
        plsc.subcore_barrier()

        @pl.loop(0, cpt)
        def _(k):
            base = (wid * cpt + k) * CH
            pltpu.sync_copy(dst_hbm.at[pl.ds(base, CH)], idx_v)
            pltpu.sync_copy(ones_v, acc_sh.at[idx_v], add=True)

        plsc.subcore_barrier()
        pltpu.sync_copy(
            acc_sh.at[pl.ds(r0, rpt)], out_hbm.at[pl.ds(cid * n_acc + r0, rpt)]
        )

    return deg_kernel(dst_p, zeros, ones128)


def _sc_aggregate(hs, src_p, dst_p, zeros, n_acc, cpt0, cpt1):
    rpt = n_acc // NS

    @functools.partial(
        pl.kernel,
        out_type=jax.ShapeDtypeStruct((NC * n_acc, D), jnp.float32),
        mesh=_sc_mesh(),
        scratch_types=[
            pltpu.VMEM((CH,), jnp.int32),
            pltpu.VMEM((CH,), jnp.int32),
            pltpu.VMEM((CH, D), jnp.float32),
            pltpu.VMEM_SHARED((n_acc, D), jnp.float32),
            pltpu.SemaphoreType.DMA,
        ],
    )
    def agg_kernel(hs_hbm, src_hbm, dst_hbm, z_hbm, out_hbm, srcv, dstv, rows_v, acc_sh, sem):
        cid = lax.axis_index("c")
        sid = lax.axis_index("s")
        r0 = sid * rpt

        pltpu.sync_copy(z_hbm.at[pl.ds(r0, rpt)], acc_sh.at[pl.ds(r0, rpt)])
        plsc.subcore_barrier()

        my_cpt = jnp.where(cid == 0, cpt0, cpt1)
        tile_base = jnp.where(cid == 0, sid * cpt0, NS * cpt0 + sid * cpt1)

        @pl.loop(0, max(cpt0, cpt1))
        def _(k):
            @pl.when(k < my_cpt)
            def _():
                base = (tile_base + k) * CH
                pltpu.sync_copy(src_hbm.at[pl.ds(base, CH)], srcv)
                pltpu.sync_copy(dst_hbm.at[pl.ds(base, CH)], dstv)
                pltpu.async_copy(hs_hbm.at[srcv], rows_v, sem).wait()
                pltpu.sync_copy(rows_v, acc_sh.at[dstv], add=True)

        plsc.subcore_barrier()
        pltpu.sync_copy(
            acc_sh.at[pl.ds(r0, rpt)], out_hbm.at[pl.ds(cid * n_acc + r0, rpt)]
        )

    return agg_kernel(hs, src_p, dst_p, zeros)


_BLK = 2000


def _tc_first(x, W, p0, p1):
    n = x.shape[0]

    def body(x_ref, w_ref, p0_ref, p1_ref, hs_ref, dinv_ref):
        deg = p0_ref[:, 0:1] + p1_ref[:, 0:1] + 1.0
        dinv = lax.rsqrt(deg)
        h = jnp.dot(
            x_ref[...], w_ref[...],
            preferred_element_type=jnp.float32, precision=lax.Precision.HIGHEST,
        )
        hs_ref[...] = h * dinv
        dinv_ref[...] = dinv

    return pl.pallas_call(
        body,
        grid=(n // _BLK,),
        in_specs=[
            pl.BlockSpec((_BLK, D), lambda i: (i, 0)),
            pl.BlockSpec((D, D), lambda i: (0, 0)),
            pl.BlockSpec((_BLK, D), lambda i: (i, 0)),
            pl.BlockSpec((_BLK, D), lambda i: (i, 0)),
        ],
        out_specs=[
            pl.BlockSpec((_BLK, D), lambda i: (i, 0)),
            pl.BlockSpec((_BLK, 1), lambda i: (i, 0)),
        ],
        out_shape=[
            jax.ShapeDtypeStruct((n, D), jnp.float32),
            jax.ShapeDtypeStruct((n, 1), jnp.float32),
        ],
    )(x, W, p0, p1)


def _tc_mid(a0, a1, hs, dinv, b, W):
    n = hs.shape[0]

    def body(a0_ref, a1_ref, hs_ref, dinv_ref, b_ref, w_ref, o_ref):
        dinv = dinv_ref[...]
        z = jnp.maximum(
            dinv * (a0_ref[...] + a1_ref[...] + hs_ref[...]) + b_ref[...], 0.0
        )
        o_ref[...] = (
            jnp.dot(z, w_ref[...], preferred_element_type=jnp.float32,
                    precision=lax.Precision.HIGHEST)
            * dinv
        )

    return pl.pallas_call(
        body,
        grid=(n // _BLK,),
        in_specs=[
            pl.BlockSpec((_BLK, D), lambda i: (i, 0)),
            pl.BlockSpec((_BLK, D), lambda i: (i, 0)),
            pl.BlockSpec((_BLK, D), lambda i: (i, 0)),
            pl.BlockSpec((_BLK, 1), lambda i: (i, 0)),
            pl.BlockSpec((1, D), lambda i: (0, 0)),
            pl.BlockSpec((D, D), lambda i: (0, 0)),
        ],
        out_specs=pl.BlockSpec((_BLK, D), lambda i: (i, 0)),
        out_shape=jax.ShapeDtypeStruct((n, D), jnp.float32),
    )(a0, a1, hs, dinv, b, W)


def _tc_final(a0, a1, hs, dinv, b):
    n = hs.shape[0]

    def body(a0_ref, a1_ref, hs_ref, dinv_ref, b_ref, o_ref):
        o_ref[...] = (
            dinv_ref[...] * (a0_ref[...] + a1_ref[...] + hs_ref[...]) + b_ref[...]
        )

    return pl.pallas_call(
        body,
        grid=(n // _BLK,),
        in_specs=[
            pl.BlockSpec((_BLK, D), lambda i: (i, 0)),
            pl.BlockSpec((_BLK, D), lambda i: (i, 0)),
            pl.BlockSpec((_BLK, D), lambda i: (i, 0)),
            pl.BlockSpec((_BLK, 1), lambda i: (i, 0)),
            pl.BlockSpec((1, D), lambda i: (0, 0)),
        ],
        out_specs=pl.BlockSpec((_BLK, D), lambda i: (i, 0)),
        out_shape=jax.ShapeDtypeStruct((n, D), jnp.float32),
    )(a0, a1, hs, dinv, b)


def kernel(x, edge_index, W1, b1, W2, b2, W3, b3):
    n = x.shape[0]
    e = edge_index.shape[1]

    e_pad = -(-e // (NW * CH)) * (NW * CH)
    cpt = e_pad // (NW * CH)
    cpt0 = (2 * cpt * 49 + 40) // 80
    cpt1 = 2 * cpt - cpt0
    n_acc = -(-(n + 1) // (NS * 8)) * (NS * 8)
    src_p = jnp.concatenate(
        [edge_index[0].astype(jnp.int32), jnp.zeros((e_pad - e,), jnp.int32)]
    )
    dst_p = jnp.concatenate(
        [edge_index[1].astype(jnp.int32), jnp.full((e_pad - e,), n, jnp.int32)]
    )


    zeros = jnp.zeros((n_acc, D), jnp.float32)
    ones128 = jnp.ones((CH, D), jnp.float32)

    deg_parts = _sc_degree(dst_p, zeros, ones128, n_acc, cpt)
    p0 = deg_parts[:n]
    p1 = deg_parts[n_acc : n_acc + n]

    h1s, dinv = _tc_first(x, W1, p0, p1)

    b1r = b1.reshape(1, D)
    b2r = b2.reshape(1, D)
    b3r = b3.reshape(1, D)

    agg = _sc_aggregate(h1s, src_p, dst_p, zeros, n_acc, cpt0, cpt1)
    h2s = _tc_mid(agg[:n], agg[n_acc : n_acc + n], h1s, dinv, b1r, W2)

    agg = _sc_aggregate(h2s, src_p, dst_p, zeros, n_acc, cpt0, cpt1)
    h3s = _tc_mid(agg[:n], agg[n_acc : n_acc + n], h2s, dinv, b2r, W3)

    agg = _sc_aggregate(h3s, src_p, dst_p, zeros, n_acc, cpt0, cpt1)
    return _tc_final(agg[:n], agg[n_acc : n_acc + n], h3s, dinv, b3r)

# --- scband reference (transcript-rebuilt; emitter-appended) ---
"""Pipeline reference for scband-encoder-5523327942687 (READ-ONLY COPY).

The authoritative reference and input builder live on the scoring server;
editing this copy changes nothing except your own understanding.
"""

import jax, jax.numpy as jnp
import numpy as np

N = 10000
E = 320000
D = 128


def setup_inputs(seed: int = 0) -> dict:
    key = jax.random.key(seed)
    ks = jax.random.split(key, 8)
    x = jax.random.normal(ks[0], (N, D), dtype=jnp.float32)
    edge_index = jax.random.randint(ks[1], (2, E), 0, N)
    scale = 1.0 / np.sqrt(D)
    W1 = jax.random.normal(ks[2], (D, D), dtype=jnp.float32) * scale
    b1 = jnp.zeros((D,), dtype=jnp.float32)
    W2 = jax.random.normal(ks[3], (D, D), dtype=jnp.float32) * scale
    b2 = jnp.zeros((D,), dtype=jnp.float32)
    W3 = jax.random.normal(ks[4], (D, D), dtype=jnp.float32) * scale
    b3 = jnp.zeros((D,), dtype=jnp.float32)
    return {"x": x, "edge_index": edge_index, "W1": W1, "b1": b1, "W2": W2, "b2": b2, "W3": W3, "b3": b3}


def _gcn_conv(x, W, b, src, dst, n_nodes):
    # GCNConv with self-loops and symmetric normalization:
    # out = D^{-1/2} (A + I) D^{-1/2} X W + b
    deg = jax.ops.segment_sum(jnp.ones_like(src, dtype=x.dtype), dst, num_segments=n_nodes)
    dinv = jnp.where(deg > 0, 1.0 / jnp.sqrt(deg), 0.0)
    h = x @ W
    norm = (dinv[src] * dinv[dst])[:, None]
    msg = h[src] * norm
    out = jax.ops.segment_sum(msg, dst, num_segments=n_nodes)
    return out + b


def reference(x, edge_index, W1, b1, W2, b2, W3, b3):
    loops = jnp.arange(N, dtype=edge_index.dtype)
    src = jnp.concatenate([edge_index[0], loops])
    dst = jnp.concatenate([edge_index[1], loops])
    z = jax.nn.relu(_gcn_conv(x, W1, b1, src, dst, N))
    z = jax.nn.relu(_gcn_conv(z, W2, b2, src, dst, N))
    z = _gcn_conv(z, W3, b3, src, dst, N)
    return z

if __name__ == "__main__":
    import jax
    _d = setup_inputs()
    print(jax.jit(kernel)(*tuple(_d.values())))

</pallas_src>

<mosaic_0001>
#map = affine_map<(d0, d1) -> (0, 0)>
#map1 = affine_map<(d0, d1) -> (0)>
module attributes {stable_mosaic.version = 14 : i64} {
  func.func @agg_kernel(%arg0: i32, %arg1: i32, %arg2: memref<10000x128xf32, #tpu.memory_space<hbm>>, %arg3: memref<323584xi32, #tpu.memory_space<hbm>>, %arg4: memref<323584xi32, #tpu.memory_space<hbm>>, %arg5: memref<10112x128xf32, #tpu.memory_space<hbm>>, %arg6: memref<20224x128xf32, #tpu.memory_space<hbm>>, %arg7: memref<128xi32, #tpu.memory_space<vmem>>, %arg8: memref<128xi32, #tpu.memory_space<vmem>>, %arg9: memref<128x128xf32, #tpu.memory_space<vmem>>, %arg10: memref<10112x128xf32, #tpu.memory_space<vmem_shared>>, %arg11: memref<!tpu.dma_semaphore, #tpu.memory_space<semaphore_mem>>) attributes {dimension_semantics = [#tpu.dimension_semantics<core_parallel>, #tpu.dimension_semantics<subcore_parallel>], iteration_bounds = array<i64: 2, 16>, scalar_prefetch = 0 : i64, scratch_operands = 5 : i64, tpu.core_type = #tpu.core_type<sc_vector_subcore>, window_params = [{transform_indices = #map}, {transform_indices = #map1}, {transform_indices = #map1}, {transform_indices = #map}, {transform_indices = #map}]} {
    %mul3A = arith.constant 632 : i32
    %mul3A_0 = arith.muli %arg1, %mul3A : i32
    "tpu.region"() ({
      %run_scoped3A = tpu.sem_alloc : memref<!tpu.dma_semaphore, #tpu.memory_space<semaphore_mem>>
      %dma_start3A = arith.constant 0 : i32
      %dma_start3A_19 = tpu.memref_slice %arg10[%mul3A_0, %dma_start3A] : memref<10112x128xf32, #tpu.memory_space<vmem_shared>> -> memref<632x128xf32, #tpu.memory_space<vmem_shared>>
      %dma_start3A_20 = arith.constant 0 : i32
      %dma_start3A_21 = tpu.memref_slice %arg5[%mul3A_0, %dma_start3A_20] : memref<10112x128xf32, #tpu.memory_space<hbm>> -> memref<632x128xf32, #tpu.memory_space<hbm>>
      tpu.enqueue_dma source(%dma_start3A_21 : memref<632x128xf32, #tpu.memory_space<hbm>>) target(%dma_start3A_19 : memref<632x128xf32, #tpu.memory_space<vmem_shared>>) target_semaphore(%run_scoped3A : memref<!tpu.dma_semaphore, #tpu.memory_space<semaphore_mem>>)
      %dma_wait3A = arith.constant 0 : i32
      %dma_wait3A_22 = tpu.memref_slice %arg10[%mul3A_0, %dma_wait3A] : memref<10112x128xf32, #tpu.memory_space<vmem_shared>> -> memref<632x128xf32, #tpu.memory_space<vmem_shared>>
      %dma_wait3A_23 = arith.constant 0 : i32
      %dma_wait3A_24 = tpu.memref_slice %arg5[%mul3A_0, %dma_wait3A_23] : memref<10112x128xf32, #tpu.memory_space<hbm>> -> memref<632x128xf32, #tpu.memory_space<hbm>>
      tpu.wait_dma2 semaphore(%run_scoped3A : memref<!tpu.dma_semaphore, #tpu.memory_space<semaphore_mem>>) src(%dma_wait3A_24 : memref<632x128xf32, #tpu.memory_space<hbm>>) dst(%dma_wait3A_22 : memref<632x128xf32, #tpu.memory_space<vmem_shared>>)
      tpu.yield
    }) : () -> ()
    %barrier3A = arith.constant 0 : index
    tpu.barrier barrier_id(%barrier3A)
    %eq3A = arith.constant 0 : i32
    %eq3A_1 = arith.cmpi eq, %arg0, %eq3A : i32
    %jit3A = arith.constant 97 : i32
    %jit3A_2 = arith.constant 61 : i32
    %select_n3A = arith.select %eq3A_1, %jit3A, %jit3A_2 : i32
    %eq3A_3 = arith.constant 0 : i32
    %eq3A_4 = arith.cmpi eq, %arg0, %eq3A_3 : i32
    %mul3A_5 = arith.constant 97 : i32
    %mul3A_6 = arith.muli %arg1, %mul3A_5 : i32
    %mul3A_7 = arith.constant 61 : i32
    %mul3A_8 = arith.muli %arg1, %mul3A_7 : i32
    %add3A = arith.constant 1552 : i32
    %add3A_9 = arith.addi %add3A, %mul3A_8 : i32
    %select_n3A_10 = arith.select %eq3A_4, %mul3A_6, %add3A_9 : i32
    %scan3A = arith.constant 0 : i32
    %scan3A_11 = arith.constant 97 : i32
    %scan3A_12 = arith.addi %scan3A, %scan3A_11 : i32
    %scan3A_13 = arith.constant 1 : i32
    scf.for %scan3A_19 = %scan3A to %scan3A_12 step %scan3A_13  : i32 {
      %mul3A_20 = arith.constant 1 : i32
      %mul3A_21 = arith.muli %scan3A_19, %mul3A_20 : i32
      %add3A_22 = arith.constant 0 : i32
      %add3A_23 = arith.addi %add3A_22, %mul3A_21 : i32
      %lt3A = arith.cmpi slt, %add3A_23, %select_n3A : i32
      %convert_element_type3A = arith.extui %lt3A : i1 to i32
      %cond3A = arith.constant 0 : i32
      %cond3A_24 = arith.cmpi ne, %convert_element_type3A, %cond3A : i32
      scf.if %cond3A_24 {
        %add3A_25 = arith.addi %select_n3A_10, %add3A_23 : i32
        %mul3A_26 = arith.constant 128 : i32
        %mul3A_27 = arith.muli %add3A_25, %mul3A_26 : i32
        "tpu.region"() ({
          %run_scoped3A = tpu.sem_alloc : memref<!tpu.dma_semaphore, #tpu.memory_space<semaphore_mem>>
          %dma_start3A_32 = tpu.memref_slice %arg3[%mul3A_27] : memref<323584xi32, #tpu.memory_space<hbm>> -> memref<128xi32, #tpu.memory_space<hbm>>
          %dma_start3A_33 = tpu.memref_slice %arg3[%mul3A_27] : memref<323584xi32, #tpu.memory_space<hbm>> -> memref<128xi32, #tpu.memory_space<hbm>>
          tpu.enqueue_dma source(%dma_start3A_33 : memref<128xi32, #tpu.memory_space<hbm>>) target(%arg7 : memref<128xi32, #tpu.memory_space<vmem>>) target_semaphore(%run_scoped3A : memref<!tpu.dma_semaphore, #tpu.memory_space<semaphore_mem>>)
          %dma_wait3A_34 = tpu.memref_slice %arg3[%mul3A_27] : memref<323584xi32, #tpu.memory_space<hbm>> -> memref<128xi32, #tpu.memory_space<hbm>>
          %dma_wait3A_35 = tpu.memref_slice %arg3[%mul3A_27] : memref<323584xi32, #tpu.memory_space<hbm>> -> memref<128xi32, #tpu.memory_space<hbm>>
          tpu.wait_dma2 semaphore(%run_scoped3A : memref<!tpu.dma_semaphore, #tpu.memory_space<semaphore_mem>>) src(%dma_wait3A_35 : memref<128xi32, #tpu.memory_space<hbm>>) dst(%arg7 : memref<128xi32, #tpu.memory_space<vmem>>)
          tpu.yield
        }) : () -> ()
        "tpu.region"() ({
          %run_scoped3A = tpu.sem_alloc : memref<!tpu.dma_semaphore, #tpu.memory_space<semaphore_mem>>
          %dma_start3A_32 = tpu.memref_slice %arg4[%mul3A_27] : memref<323584xi32, #tpu.memory_space<hbm>> -> memref<128xi32, #tpu.memory_space<hbm>>
          %dma_start3A_33 = tpu.memref_slice %arg4[%mul3A_27] : memref<323584xi32, #tpu.memory_space<hbm>> -> memref<128xi32, #tpu.memory_space<hbm>>
          tpu.enqueue_dma source(%dma_start3A_33 : memref<128xi32, #tpu.memory_space<hbm>>) target(%arg8 : memref<128xi32, #tpu.memory_space<vmem>>) target_semaphore(%run_scoped3A : memref<!tpu.dma_semaphore, #tpu.memory_space<semaphore_mem>>)
          %dma_wait3A_34 = tpu.memref_slice %arg4[%mul3A_27] : memref<323584xi32, #tpu.memory_space<hbm>> -> memref<128xi32, #tpu.memory_space<hbm>>
          %dma_wait3A_35 = tpu.memref_slice %arg4[%mul3A_27] : memref<323584xi32, #tpu.memory_space<hbm>> -> memref<128xi32, #tpu.memory_space<hbm>>
          tpu.wait_dma2 semaphore(%run_scoped3A : memref<!tpu.dma_semaphore, #tpu.memory_space<semaphore_mem>>) src(%dma_wait3A_35 : memref<128xi32, #tpu.memory_space<hbm>>) dst(%arg8 : memref<128xi32, #tpu.memory_space<vmem>>)
          tpu.yield
        }) : () -> ()
        %dma_start3A = arith.constant 0 : i32
        %dma_start3A_28 = arith.constant 0 : i32
        %dma_start3A_29 = tpu.memref_slice %arg2[%dma_start3A, %dma_start3A_28] : memref<10000x128xf32, #tpu.memory_space<hbm>> -> memref<10000x128xf32, #tpu.memory_space<hbm>>
        tpu.enqueue_indirect_dma source(%dma_start3A_29 : memref<10000x128xf32, #tpu.memory_space<hbm>>) target(%arg9 : memref<128x128xf32, #tpu.memory_space<vmem>>) offsets(%arg7 : memref<128xi32, #tpu.memory_space<vmem>>) semaphore(%arg11 : memref<!tpu.dma_semaphore, #tpu.memory_space<semaphore_mem>>)
        %dma_wait3A = arith.constant 0 : i32
        %dma_wait3A_30 = arith.constant 0 : i32
        %dma_wait3A_31 = tpu.memref_slice %arg2[%dma_wait3A, %dma_wait3A_30] : memref<10000x128xf32, #tpu.memory_space<hbm>> -> memref<10000x128xf32, #tpu.memory_space<hbm>>
        tpu.wait_indirect_dma semaphore(%arg11 : memref<!tpu.dma_semaphore, #tpu.memory_space<semaphore_mem>>) src(%dma_wait3A_31 : memref<10000x128xf32, #tpu.memory_space<hbm>>) dst(%arg9 : memref<128x128xf32, #tpu.memory_space<vmem>>)
        "tpu.region"() ({
          %run_scoped3A = tpu.sem_alloc : memref<!tpu.dma_semaphore, #tpu.memory_space<semaphore_mem>>
          %dma_start3A_32 = arith.constant 0 : i32
          %dma_start3A_33 = arith.constant 0 : i32
          %dma_start3A_34 = tpu.memref_slice %arg10[%dma_start3A_32, %dma_start3A_33] : memref<10112x128xf32, #tpu.memory_space<vmem_shared>> -> memref<10112x128xf32, #tpu.memory_space<vmem_shared>>
          tpu.enqueue_indirect_dma source(%arg9 : memref<128x128xf32, #tpu.memory_space<vmem>>) target(%dma_start3A_34 : memref<10112x128xf32, #tpu.memory_space<vmem_shared>>) offsets(%arg8 : memref<128xi32, #tpu.memory_space<vmem>>) semaphore(%run_scoped3A : memref<!tpu.dma_semaphore, #tpu.memory_space<semaphore_mem>>) {add = true}
          %dma_wait3A_35 = arith.constant 0 : i32
          %dma_wait3A_36 = arith.constant 0 : i32
          %dma_wait3A_37 = tpu.memref_slice %arg10[%dma_wait3A_35, %dma_wait3A_36] : memref<10112x128xf32, #tpu.memory_space<vmem_shared>> -> memref<10112x128xf32, #tpu.memory_space<vmem_shared>>
          tpu.wait_indirect_dma semaphore(%run_scoped3A : memref<!tpu.dma_semaphore, #tpu.memory_space<semaphore_mem>>) src(%arg9 : memref<128x128xf32, #tpu.memory_space<vmem>>) dst(%dma_wait3A_37 : memref<10112x128xf32, #tpu.memory_space<vmem_shared>>)
          tpu.yield
        }) : () -> ()
      } else {
      }
    }
    %scan3A_14 = arith.constant 97 : i32
    %barrier3A_15 = arith.constant 0 : index
    tpu.barrier barrier_id(%barrier3A_15)
    %mul3A_16 = arith.constant 10112 : i32
    %mul3A_17 = arith.muli %arg0, %mul3A_16 : i32
    %add3A_18 = arith.addi %mul3A_17, %mul3A_0 : i32
    "tpu.region"() ({
      %run_scoped3A = tpu.sem_alloc : memref<!tpu.dma_semaphore, #tpu.memory_space<semaphore_mem>>
      %dma_start3A = arith.constant 0 : i32
      %dma_start3A_19 = tpu.memref_slice %arg6[%add3A_18, %dma_start3A] : memref<20224x128xf32, #tpu.memory_space<hbm>> -> memref<632x128xf32, #tpu.memory_space<hbm>>
      %dma_start3A_20 = arith.constant 0 : i32
      %dma_start3A_21 = tpu.memref_slice %arg10[%mul3A_0, %dma_start3A_20] : memref<10112x128xf32, #tpu.memory_space<vmem_shared>> -> memref<632x128xf32, #tpu.memory_space<vmem_shared>>
      tpu.enqueue_dma source(%dma_start3A_21 : memref<632x128xf32, #tpu.memory_space<vmem_shared>>) target(%dma_start3A_19 : memref<632x128xf32, #tpu.memory_space<hbm>>) target_semaphore(%run_scoped3A : memref<!tpu.dma_semaphore, #tpu.memory_space<semaphore_mem>>)
      %dma_wait3A = arith.constant 0 : i32
      %dma_wait3A_22 = tpu.memref_slice %arg6[%add3A_18, %dma_wait3A] : memref<20224x128xf32, #tpu.memory_space<hbm>> -> memref<632x128xf32, #tpu.memory_space<hbm>>
      %dma_wait3A_23 = arith.constant 0 : i32
      %dma_wait3A_24 = tpu.memref_slice %arg10[%mul3A_0, %dma_wait3A_23] : memref<10112x128xf32, #tpu.memory_space<vmem_shared>> -> memref<632x128xf32, #tpu.memory_space<vmem_shared>>
      tpu.wait_dma2 semaphore(%run_scoped3A : memref<!tpu.dma_semaphore, #tpu.memory_space<semaphore_mem>>) src(%dma_wait3A_24 : memref<632x128xf32, #tpu.memory_space<vmem_shared>>) dst(%dma_wait3A_22 : memref<632x128xf32, #tpu.memory_space<hbm>>)
      tpu.yield
    }) : () -> ()
    return
  }
}

#map = affine_map<(d0, d1) -> (0, 0)>
#map1 = affine_map<(d0, d1) -> (0)>
module attributes {stable_mosaic.version = 14 : i64} {
  func.func @agg_kernel(%arg0: i32, %arg1: i32, %arg2: memref<10000x128xf32, #tpu.memory_space<hbm>>, %arg3: memref<323584xi32, #tpu.memory_space<hbm>>, %arg4: memref<323584xi32, #tpu.memory_space<hbm>>, %arg5: memref<10112x128xf32, #tpu.memory_space<hbm>>, %arg6: memref<20224x128xf32, #tpu.memory_space<hbm>>, %arg7: memref<128xi32, #tpu.memory_space<vmem>>, %arg8: memref<128xi32, #tpu.memory_space<vmem>>, %arg9: memref<128x128xf32, #tpu.memory_space<vmem>>, %arg10: memref<10112x128xf32, #tpu.memory_space<vmem_shared>>, %arg11: memref<!tpu.dma_semaphore, #tpu.memory_space<semaphore_mem>>) attributes {dimension_semantics = [#tpu.dimension_semantics<core_parallel>, #tpu.dimension_semantics<subcore_parallel>], iteration_bounds = array<i64: 2, 16>, scalar_prefetch = 0 : i64, scratch_operands = 5 : i64, tpu.core_type = #tpu.core_type<sc_vector_subcore>, window_params = [{transform_indices = #map}, {transform_indices = #map1}, {transform_indices = #map1}, {transform_indices = #map}, {transform_indices = #map}]} {
    %mul3A = arith.constant 632 : i32
    %mul3A_0 = arith.muli %arg1, %mul3A : i32
    "tpu.region"() ({
      %run_scoped3A = tpu.sem_alloc : memref<!tpu.dma_semaphore, #tpu.memory_space<semaphore_mem>>
      %dma_start3A = arith.constant 0 : i32
      %dma_start3A_19 = tpu.memref_slice %arg10[%mul3A_0, %dma_start3A] : memref<10112x128xf32, #tpu.memory_space<vmem_shared>> -> memref<632x128xf32, #tpu.memory_space<vmem_shared>>
      %dma_start3A_20 = arith.constant 0 : i32
      %dma_start3A_21 = tpu.memref_slice %arg5[%mul3A_0, %dma_start3A_20] : memref<10112x128xf32, #tpu.memory_space<hbm>> -> memref<632x128xf32, #tpu.memory_space<hbm>>
      tpu.enqueue_dma source(%dma_start3A_21 : memref<632x128xf32, #tpu.memory_space<hbm>>) target(%dma_start3A_19 : memref<632x128xf32, #tpu.memory_space<vmem_shared>>) target_semaphore(%run_scoped3A : memref<!tpu.dma_semaphore, #tpu.memory_space<semaphore_mem>>)
      %dma_wait3A = arith.constant 0 : i32
      %dma_wait3A_22 = tpu.memref_slice %arg10[%mul3A_0, %dma_wait3A] : memref<10112x128xf32, #tpu.memory_space<vmem_shared>> -> memref<632x128xf32, #tpu.memory_space<vmem_shared>>
      %dma_wait3A_23 = arith.constant 0 : i32
      %dma_wait3A_24 = tpu.memref_slice %arg5[%mul3A_0, %dma_wait3A_23] : memref<10112x128xf32, #tpu.memory_space<hbm>> -> memref<632x128xf32, #tpu.memory_space<hbm>>
      tpu.wait_dma2 semaphore(%run_scoped3A : memref<!tpu.dma_semaphore, #tpu.memory_space<semaphore_mem>>) src(%dma_wait3A_24 : memref<632x128xf32, #tpu.memory_space<hbm>>) dst(%dma_wait3A_22 : memref<632x128xf32, #tpu.memory_space<vmem_shared>>)
      tpu.yield
    }) : () -> ()
    %barrier3A = arith.constant 0 : index
    tpu.barrier barrier_id(%barrier3A)
    %eq3A = arith.constant 0 : i32
    %eq3A_1 = arith.cmpi eq, %arg0, %eq3A : i32
    %jit3A = arith.constant 97 : i32
    %jit3A_2 = arith.constant 61 : i32
    %select_n3A = arith.select %eq3A_1, %jit3A, %jit3A_2 : i32
    %eq3A_3 = arith.constant 0 : i32
    %eq3A_4 = arith.cmpi eq, %arg0, %eq3A_3 : i32
    %mul3A_5 = arith.constant 97 : i32
    %mul3A_6 = arith.muli %arg1, %mul3A_5 : i32
    %mul3A_7 = arith.constant 61 : i32
    %mul3A_8 = arith.muli %arg1, %mul3A_7 : i32
    %add3A = arith.constant 1552 : i32
    %add3A_9 = arith.addi %add3A, %mul3A_8 : i32
    %select_n3A_10 = arith.select %eq3A_4, %mul3A_6, %add3A_9 : i32
    %scan3A = arith.constant 0 : i32
    %scan3A_11 = arith.constant 97 : i32
    %scan3A_12 = arith.addi %scan3A, %scan3A_11 : i32
    %scan3A_13 = arith.constant 1 : i32
    scf.for %scan3A_19 = %scan3A to %scan3A_12 step %scan3A_13  : i32 {
      %mul3A_20 = arith.constant 1 : i32
      %mul3A_21 = arith.muli %scan3A_19, %mul3A_20 : i32
      %add3A_22 = arith.constant 0 : i32
      %add3A_23 = arith.addi %add3A_22, %mul3A_21 : i32
      %lt3A = arith.cmpi slt, %add3A_23, %select_n3A : i32
      %convert_element_type3A = arith.extui %lt3A : i1 to i32
      %cond3A = arith.constant 0 : i32
      %cond3A_24 = arith.cmpi ne, %convert_element_type3A, %cond3A : i32
      scf.if %cond3A_24 {
        %add3A_25 = arith.addi %select_n3A_10, %add3A_23 : i32
        %mul3A_26 = arith.constant 128 : i32
        %mul3A_27 = arith.muli %add3A_25, %mul3A_26 : i32
        "tpu.region"() ({
          %run_scoped3A = tpu.sem_alloc : memref<!tpu.dma_semaphore, #tpu.memory_space<semaphore_mem>>
          %dma_start3A_32 = tpu.memref_slice %arg3[%mul3A_27] : memref<323584xi32, #tpu.memory_space<hbm>> -> memref<128xi32, #tpu.memory_space<hbm>>
          %dma_start3A_33 = tpu.memref_slice %arg3[%mul3A_27] : memref<323584xi32, #tpu.memory_space<hbm>> -> memref<128xi32, #tpu.memory_space<hbm>>
          tpu.enqueue_dma source(%dma_start3A_33 : memref<128xi32, #tpu.memory_space<hbm>>) target(%arg7 : memref<128xi32, #tpu.memory_space<vmem>>) target_semaphore(%run_scoped3A : memref<!tpu.dma_semaphore, #tpu.memory_space<semaphore_mem>>)
          %dma_wait3A_34 = tpu.memref_slice %arg3[%mul3A_27] : memref<323584xi32, #tpu.memory_space<hbm>> -> memref<128xi32, #tpu.memory_space<hbm>>
          %dma_wait3A_35 = tpu.memref_slice %arg3[%mul3A_27] : memref<323584xi32, #tpu.memory_space<hbm>> -> memref<128xi32, #tpu.memory_space<hbm>>
          tpu.wait_dma2 semaphore(%run_scoped3A : memref<!tpu.dma_semaphore, #tpu.memory_space<semaphore_mem>>) src(%dma_wait3A_35 : memref<128xi32, #tpu.memory_space<hbm>>) dst(%arg7 : memref<128xi32, #tpu.memory_space<vmem>>)
          tpu.yield
        }) : () -> ()
        "tpu.region"() ({
          %run_scoped3A = tpu.sem_alloc : memref<!tpu.dma_semaphore, #tpu.memory_space<semaphore_mem>>
          %dma_start3A_32 = tpu.memref_slice %arg4[%mul3A_27] : memref<323584xi32, #tpu.memory_space<hbm>> -> memref<128xi32, #tpu.memory_space<hbm>>
          %dma_start3A_33 = tpu.memref_slice %arg4[%mul3A_27] : memref<323584xi32, #tpu.memory_space<hbm>> -> memref<128xi32, #tpu.memory_space<hbm>>
          tpu.enqueue_dma source(%dma_start3A_33 : memref<128xi32, #tpu.memory_space<hbm>>) target(%arg8 : memref<128xi32, #tpu.memory_space<vmem>>) target_semaphore(%run_scoped3A : memref<!tpu.dma_semaphore, #tpu.memory_space<semaphore_mem>>)
          %dma_wait3A_34 = tpu.memref_slice %arg4[%mul3A_27] : memref<323584xi32, #tpu.memory_space<hbm>> -> memref<128xi32, #tpu.memory_space<hbm>>
          %dma_wait3A_35 = tpu.memref_slice %arg4[%mul3A_27] : memref<323584xi32, #tpu.memory_space<hbm>> -> memref<128xi32, #tpu.memory_space<hbm>>
          tpu.wait_dma2 semaphore(%run_scoped3A : memref<!tpu.dma_semaphore, #tpu.memory_space<semaphore_mem>>) src(%dma_wait3A_35 : memref<128xi32, #tpu.memory_space<hbm>>) dst(%arg8 : memref<128xi32, #tpu.memory_space<vmem>>)
          tpu.yield
        }) : () -> ()
        %dma_start3A = arith.constant 0 : i32
        %dma_start3A_28 = arith.constant 0 : i32
        %dma_start3A_29 = tpu.memref_slice %arg2[%dma_start3A, %dma_start3A_28] : memref<10000x128xf32, #tpu.memory_space<hbm>> -> memref<10000x128xf32, #tpu.memory_space<hbm>>
        tpu.enqueue_indirect_dma source(%dma_start3A_29 : memref<10000x128xf32, #tpu.memory_space<hbm>>) target(%arg9 : memref<128x128xf32, #tpu.memory_space<vmem>>) offsets(%arg7 : memref<128xi32, #tpu.memory_space<vmem>>) semaphore(%arg11 : memref<!tpu.dma_semaphore, #tpu.memory_space<semaphore_mem>>)
        %dma_wait3A = arith.constant 0 : i32
        %dma_wait3A_30 = arith.constant 0 : i32
        %dma_wait3A_31 = tpu.memref_slice %arg2[%dma_wait3A, %dma_wait3A_30] : memref<10000x128xf32, #tpu.memory_space<hbm>> -> memref<10000x128xf32, #tpu.memory_space<hbm>>
        tpu.wait_indirect_dma semaphore(%arg11 : memref<!tpu.dma_semaphore, #tpu.memory_space<semaphore_mem>>) src(%dma_wait3A_31 : memref<10000x128xf32, #tpu.memory_space<hbm>>) dst(%arg9 : memref<128x128xf32, #tpu.memory_space<vmem>>)
        "tpu.region"() ({
          %run_scoped3A = tpu.sem_alloc : memref<!tpu.dma_semaphore, #tpu.memory_space<semaphore_mem>>
          %dma_start3A_32 = arith.constant 0 : i32
          %dma_start3A_33 = arith.constant 0 : i32
          %dma_start3A_34 = tpu.memref_slice %arg10[%dma_start3A_32, %dma_start3A_33] : memref<10112x128xf32, #tpu.memory_space<vmem_shared>> -> memref<10112x128xf32, #tpu.memory_space<vmem_shared>>
          tpu.enqueue_indirect_dma source(%arg9 : memref<128x128xf32, #tpu.memory_space<vmem>>) target(%dma_start3A_34 : memref<10112x128xf32, #tpu.memory_space<vmem_shared>>) offsets(%arg8 : memref<128xi32, #tpu.memory_space<vmem>>) semaphore(%run_scoped3A : memref<!tpu.dma_semaphore, #tpu.memory_space<semaphore_mem>>) {add = true}
          %dma_wait3A_35 = arith.constant 0 : i32
          %dma_wait3A_36 = arith.constant 0 : i32
          %dma_wait3A_37 = tpu.memref_slice %arg10[%dma_wait3A_35, %dma_wait3A_36] : memref<10112x128xf32, #tpu.memory_space<vmem_shared>> -> memref<10112x128xf32, #tpu.memory_space<vmem_shared>>
          tpu.wait_indirect_dma semaphore(%run_scoped3A : memref<!tpu.dma_semaphore, #tpu.memory_space<semaphore_mem>>) src(%arg9 : memref<128x128xf32, #tpu.memory_space<vmem>>) dst(%dma_wait3A_37 : memref<10112x128xf32, #tpu.memory_space<vmem_shared>>)
          tpu.yield
        }) : () -> ()
      } else {
      }
    }
    %scan3A_14 = arith.constant 97 : i32
    %barrier3A_15 = arith.constant 0 : index
    tpu.barrier barrier_id(%barrier3A_15)
    %mul3A_16 = arith.constant 10112 : i32
    %mul3A_17 = arith.muli %arg0, %mul3A_16 : i32
    %add3A_18 = arith.addi %mul3A_17, %mul3A_0 : i32
    "tpu.region"() ({
      %run_scoped3A = tpu.sem_alloc : memref<!tpu.dma_semaphore, #tpu.memory_space<semaphore_mem>>
      %dma_start3A = arith.constant 0 : i32
      %dma_start3A_19 = tpu.memref_slice %arg6[%add3A_18, %dma_start3A] : memref<20224x128xf32, #tpu.memory_space<hbm>> -> memref<632x128xf32, #tpu.memory_space<hbm>>
      %dma_start3A_20 = arith.constant 0 : i32
      %dma_start3A_21 = tpu.memref_slice %arg10[%mul3A_0, %dma_start3A_20] : memref<10112x128xf32, #tpu.memory_space<vmem_shared>> -> memref<632x128xf32, #tpu.memory_space<vmem_shared>>
      tpu.enqueue_dma source(%dma_start3A_21 : memref<632x128xf32, #tpu.memory_space<vmem_shared>>) target(%dma_start3A_19 : memref<632x128xf32, #tpu.memory_space<hbm>>) target_semaphore(%run_scoped3A : memref<!tpu.dma_semaphore, #tpu.memory_space<semaphore_mem>>)
      %dma_wait3A = arith.constant 0 : i32
      %dma_wait3A_22 = tpu.memref_slice %arg6[%add3A_18, %dma_wait3A] : memref<20224x128xf32, #tpu.memory_space<hbm>> -> memref<632x128xf32, #tpu.memory_space<hbm>>
      %dma_wait3A_23 = arith.constant 0 : i32
      %dma_wait3A_24 = tpu.memref_slice %arg10[%mul3A_0, %dma_wait3A_23] : memref<10112x128xf32, #tpu.memory_space<vmem_shared>> -> memref<632x128xf32, #tpu.memory_space<vmem_shared>>
      tpu.wait_dma2 semaphore(%run_scoped3A : memref<!tpu.dma_semaphore, #tpu.memory_space<semaphore_mem>>) src(%dma_wait3A_24 : memref<632x128xf32, #tpu.memory_space<vmem_shared>>) dst(%dma_wait3A_22 : memref<632x128xf32, #tpu.memory_space<hbm>>)
      tpu.yield
    }) : () -> ()
    return
  }
}

#map = affine_map<(d0, d1) -> (0)>
#map1 = affine_map<(d0, d1) -> (0, 0)>
module attributes {stable_mosaic.version = 14 : i64} {
  func.func @deg_kernel(%arg0: i32, %arg1: i32, %arg2: memref<323584xi32, #tpu.memory_space<hbm>>, %arg3: memref<10112x128xf32, #tpu.memory_space<hbm>>, %arg4: memref<128x128xf32, #tpu.memory_space<hbm>>, %arg5: memref<20224x128xf32, #tpu.memory_space<hbm>>, %arg6: memref<128xi32, #tpu.memory_space<vmem>>, %arg7: memref<128x128xf32, #tpu.memory_space<vmem>>, %arg8: memref<10112x128xf32, #tpu.memory_space<vmem_shared>>) attributes {dimension_semantics = [#tpu.dimension_semantics<core_parallel>, #tpu.dimension_semantics<subcore_parallel>], iteration_bounds = array<i64: 2, 16>, scalar_prefetch = 0 : i64, scratch_operands = 3 : i64, tpu.core_type = #tpu.core_type<sc_vector_subcore>, window_params = [{transform_indices = #map}, {transform_indices = #map1}, {transform_indices = #map1}, {transform_indices = #map1}]} {
    %mul3A = arith.constant 16 : i32
    %mul3A_0 = arith.muli %arg0, %mul3A : i32
    %add3A = arith.addi %mul3A_0, %arg1 : i32
    %mul3A_1 = arith.constant 632 : i32
    %mul3A_2 = arith.muli %arg1, %mul3A_1 : i32
    "tpu.region"() ({
      %run_scoped3A = tpu.sem_alloc : memref<!tpu.dma_semaphore, #tpu.memory_space<semaphore_mem>>
      tpu.enqueue_dma source(%arg4 : memref<128x128xf32, #tpu.memory_space<hbm>>) target(%arg7 : memref<128x128xf32, #tpu.memory_space<vmem>>) target_semaphore(%run_scoped3A : memref<!tpu.dma_semaphore, #tpu.memory_space<semaphore_mem>>)
      tpu.wait_dma2 semaphore(%run_scoped3A : memref<!tpu.dma_semaphore, #tpu.memory_space<semaphore_mem>>) src(%arg4 : memref<128x128xf32, #tpu.memory_space<hbm>>) dst(%arg7 : memref<128x128xf32, #tpu.memory_space<vmem>>)
      tpu.yield
    }) : () -> ()
    "tpu.region"() ({
      %run_scoped3A = tpu.sem_alloc : memref<!tpu.dma_semaphore, #tpu.memory_space<semaphore_mem>>
      %dma_start3A = arith.constant 0 : i32
      %dma_start3A_11 = tpu.memref_slice %arg8[%mul3A_2, %dma_start3A] : memref<10112x128xf32, #tpu.memory_space<vmem_shared>> -> memref<632x128xf32, #tpu.memory_space<vmem_shared>>
      %dma_start3A_12 = arith.constant 0 : i32
      %dma_start3A_13 = tpu.memref_slice %arg3[%mul3A_2, %dma_start3A_12] : memref<10112x128xf32, #tpu.memory_space<hbm>> -> memref<632x128xf32, #tpu.memory_space<hbm>>
      tpu.enqueue_dma source(%dma_start3A_13 : memref<632x128xf32, #tpu.memory_space<hbm>>) target(%dma_start3A_11 : memref<632x128xf32, #tpu.memory_space<vmem_shared>>) target_semaphore(%run_scoped3A : memref<!tpu.dma_semaphore, #tpu.memory_space<semaphore_mem>>)
      %dma_wait3A = arith.constant 0 : i32
      %dma_wait3A_14 = tpu.memref_slice %arg8[%mul3A_2, %dma_wait3A] : memref<10112x128xf32, #tpu.memory_space<vmem_shared>> -> memref<632x128xf32, #tpu.memory_space<vmem_shared>>
      %dma_wait3A_15 = arith.constant 0 : i32
      %dma_wait3A_16 = tpu.memref_slice %arg3[%mul3A_2, %dma_wait3A_15] : memref<10112x128xf32, #tpu.memory_space<hbm>> -> memref<632x128xf32, #tpu.memory_space<hbm>>
      tpu.wait_dma2 semaphore(%run_scoped3A : memref<!tpu.dma_semaphore, #tpu.memory_space<semaphore_mem>>) src(%dma_wait3A_16 : memref<632x128xf32, #tpu.memory_space<hbm>>) dst(%dma_wait3A_14 : memref<632x128xf32, #tpu.memory_space<vmem_shared>>)
      tpu.yield
    }) : () -> ()
    %barrier3A = arith.constant 0 : index
    tpu.barrier barrier_id(%barrier3A)
    %scan3A = arith.constant 0 : i32
    %scan3A_3 = arith.constant 79 : i32
    %scan3A_4 = arith.addi %scan3A, %scan3A_3 : i32
    %scan3A_5 = arith.constant 1 : i32
    scf.for %scan3A_11 = %scan3A to %scan3A_4 step %scan3A_5  : i32 {
      %mul3A_12 = arith.constant 1 : i32
      %mul3A_13 = arith.muli %scan3A_11, %mul3A_12 : i32
      %add3A_14 = arith.constant 0 : i32
      %add3A_15 = arith.addi %add3A_14, %mul3A_13 : i32
      %mul3A_16 = arith.constant 79 : i32
      %mul3A_17 = arith.muli %add3A, %mul3A_16 : i32
      %add3A_18 = arith.addi %mul3A_17, %add3A_15 : i32
      %mul3A_19 = arith.constant 128 : i32
      %mul3A_20 = arith.muli %add3A_18, %mul3A_19 : i32
      "tpu.region"() ({
        %run_scoped3A = tpu.sem_alloc : memref<!tpu.dma_semaphore, #tpu.memory_space<semaphore_mem>>
        %dma_start3A = tpu.memref_slice %arg2[%mul3A_20] : memref<323584xi32, #tpu.memory_space<hbm>> -> memref<128xi32, #tpu.memory_space<hbm>>
        %dma_start3A_21 = tpu.memref_slice %arg2[%mul3A_20] : memref<323584xi32, #tpu.memory_space<hbm>> -> memref<128xi32, #tpu.memory_space<hbm>>
        tpu.enqueue_dma source(%dma_start3A_21 : memref<128xi32, #tpu.memory_space<hbm>>) target(%arg6 : memref<128xi32, #tpu.memory_space<vmem>>) target_semaphore(%run_scoped3A : memref<!tpu.dma_semaphore, #tpu.memory_space<semaphore_mem>>)
        %dma_wait3A = tpu.memref_slice %arg2[%mul3A_20] : memref<323584xi32, #tpu.memory_space<hbm>> -> memref<128xi32, #tpu.memory_space<hbm>>
        %dma_wait3A_22 = tpu.memref_slice %arg2[%mul3A_20] : memref<323584xi32, #tpu.memory_space<hbm>> -> memref<128xi32, #tpu.memory_space<hbm>>
        tpu.wait_dma2 semaphore(%run_scoped3A : memref<!tpu.dma_semaphore, #tpu.memory_space<semaphore_mem>>) src(%dma_wait3A_22 : memref<128xi32, #tpu.memory_space<hbm>>) dst(%arg6 : memref<128xi32, #tpu.memory_space<vmem>>)
        tpu.yield
      }) : () -> ()
      "tpu.region"() ({
        %run_scoped3A = tpu.sem_alloc : memref<!tpu.dma_semaphore, #tpu.memory_space<semaphore_mem>>
        %dma_start3A = arith.constant 0 : i32
        %dma_start3A_21 = arith.constant 0 : i32
        %dma_start3A_22 = tpu.memref_slice %arg8[%dma_start3A, %dma_start3A_21] : memref<10112x128xf32, #tpu.memory_space<vmem_shared>> -> memref<10112x128xf32, #tpu.memory_space<vmem_shared>>
        tpu.enqueue_indirect_dma source(%arg7 : memref<128x128xf32, #tpu.memory_space<vmem>>) target(%dma_start3A_22 : memref<10112x128xf32, #tpu.memory_space<vmem_shared>>) offsets(%arg6 : memref<128xi32, #tpu.memory_space<vmem>>) semaphore(%run_scoped3A : memref<!tpu.dma_semaphore, #tpu.memory_space<semaphore_mem>>) {add = true}
        %dma_wait3A = arith.constant 0 : i32
        %dma_wait3A_23 = arith.constant 0 : i32
        %dma_wait3A_24 = tpu.memref_slice %arg8[%dma_wait3A, %dma_wait3A_23] : memref<10112x128xf32, #tpu.memory_space<vmem_shared>> -> memref<10112x128xf32, #tpu.memory_space<vmem_shared>>
        tpu.wait_indirect_dma semaphore(%run_scoped3A : memref<!tpu.dma_semaphore, #tpu.memory_space<semaphore_mem>>) src(%arg7 : memref<128x128xf32, #tpu.memory_space<vmem>>) dst(%dma_wait3A_24 : memref<10112x128xf32, #tpu.memory_space<vmem_shared>>)
        tpu.yield
      }) : () -> ()
    }
    %scan3A_6 = arith.constant 79 : i32
    %barrier3A_7 = arith.constant 0 : index
    tpu.barrier barrier_id(%barrier3A_7)
    %mul3A_8 = arith.constant 10112 : i32
    %mul3A_9 = arith.muli %arg0, %mul3A_8 : i32
    %add3A_10 = arith.addi %mul3A_9, %mul3A_2 : i32
    "tpu.region"() ({
      %run_scoped3A = tpu.sem_alloc : memref<!tpu.dma_semaphore, #tpu.memory_space<semaphore_mem>>
      %dma_start3A = arith.constant 0 : i32
      %dma_start3A_11 = tpu.memref_slice %arg5[%add3A_10, %dma_start3A] : memref<20224x128xf32, #tpu.memory_space<hbm>> -> memref<632x128xf32, #tpu.memory_space<hbm>>
      %dma_start3A_12 = arith.constant 0 : i32
      %dma_start3A_13 = tpu.memref_slice %arg8[%mul3A_2, %dma_start3A_12] : memref<10112x128xf32, #tpu.memory_space<vmem_shared>> -> memref<632x128xf32, #tpu.memory_space<vmem_shared>>
      tpu.enqueue_dma source(%dma_start3A_13 : memref<632x128xf32, #tpu.memory_space<vmem_shared>>) target(%dma_start3A_11 : memref<632x128xf32, #tpu.memory_space<hbm>>) target_semaphore(%run_scoped3A : memref<!tpu.dma_semaphore, #tpu.memory_space<semaphore_mem>>)
      %dma_wait3A = arith.constant 0 : i32
      %dma_wait3A_14 = tpu.memref_slice %arg5[%add3A_10, %dma_wait3A] : memref<20224x128xf32, #tpu.memory_space<hbm>> -> memref<632x128xf32, #tpu.memory_space<hbm>>
      %dma_wait3A_15 = arith.constant 0 : i32
      %dma_wait3A_16 = tpu.memref_slice %arg8[%mul3A_2, %dma_wait3A_15] : memref<10112x128xf32, #tpu.memory_space<vmem_shared>> -> memref<632x128xf32, #tpu.memory_space<vmem_shared>>
      tpu.wait_dma2 semaphore(%run_scoped3A : memref<!tpu.dma_semaphore, #tpu.memory_space<semaphore_mem>>) src(%dma_wait3A_16 : memref<632x128xf32, #tpu.memory_space<vmem_shared>>) dst(%dma_wait3A_14 : memref<632x128xf32, #tpu.memory_space<hbm>>)
      tpu.yield
    }) : () -> ()
    return
  }
}

#map = affine_map<(d0, d1) -> (0, 0)>
#map1 = affine_map<(d0, d1) -> (0)>
module attributes {stable_mosaic.version = 14 : i64} {
  func.func @agg_kernel(%arg0: i32, %arg1: i32, %arg2: memref<10000x128xf32, #tpu.memory_space<hbm>>, %arg3: memref<323584xi32, #tpu.memory_space<hbm>>, %arg4: memref<323584xi32, #tpu.memory_space<hbm>>, %arg5: memref<10112x128xf32, #tpu.memory_space<hbm>>, %arg6: memref<20224x128xf32, #tpu.memory_space<hbm>>, %arg7: memref<128xi32, #tpu.memory_space<vmem>>, %arg8: memref<128xi32, #tpu.memory_space<vmem>>, %arg9: memref<128x128xf32, #tpu.memory_space<vmem>>, %arg10: memref<10112x128xf32, #tpu.memory_space<vmem_shared>>, %arg11: memref<!tpu.dma_semaphore, #tpu.memory_space<semaphore_mem>>) attributes {dimension_semantics = [#tpu.dimension_semantics<core_parallel>, #tpu.dimension_semantics<subcore_parallel>], iteration_bounds = array<i64: 2, 16>, scalar_prefetch = 0 : i64, scratch_operands = 5 : i64, tpu.core_type = #tpu.core_type<sc_vector_subcore>, window_params = [{transform_indices = #map}, {transform_indices = #map1}, {transform_indices = #map1}, {transform_indices = #map}, {transform_indices = #map}]} {
    %mul3A = arith.constant 632 : i32
    %mul3A_0 = arith.muli %arg1, %mul3A : i32
    "tpu.region"() ({
      %run_scoped3A = tpu.sem_alloc : memref<!tpu.dma_semaphore, #tpu.memory_space<semaphore_mem>>
      %dma_start3A = arith.constant 0 : i32
      %dma_start3A_19 = tpu.memref_slice %arg10[%mul3A_0, %dma_start3A] : memref<10112x128xf32, #tpu.memory_space<vmem_shared>> -> memref<632x128xf32, #tpu.memory_space<vmem_shared>>
      %dma_start3A_20 = arith.constant 0 : i32
      %dma_start3A_21 = tpu.memref_slice %arg5[%mul3A_0, %dma_start3A_20] : memref<10112x128xf32, #tpu.memory_space<hbm>> -> memref<632x128xf32, #tpu.memory_space<hbm>>
      tpu.enqueue_dma source(%dma_start3A_21 : memref<632x128xf32, #tpu.memory_space<hbm>>) target(%dma_start3A_19 : memref<632x128xf32, #tpu.memory_space<vmem_shared>>) target_semaphore(%run_scoped3A : memref<!tpu.dma_semaphore, #tpu.memory_space<semaphore_mem>>)
      %dma_wait3A = arith.constant 0 : i32
      %dma_wait3A_22 = tpu.memref_slice %arg10[%mul3A_0, %dma_wait3A] : memref<10112x128xf32, #tpu.memory_space<vmem_shared>> -> memref<632x128xf32, #tpu.memory_space<vmem_shared>>
      %dma_wait3A_23 = arith.constant 0 : i32
      %dma_wait3A_24 = tpu.memref_slice %arg5[%mul3A_0, %dma_wait3A_23] : memref<10112x128xf32, #tpu.memory_space<hbm>> -> memref<632x128xf32, #tpu.memory_space<hbm>>
      tpu.wait_dma2 semaphore(%run_scoped3A : memref<!tpu.dma_semaphore, #tpu.memory_space<semaphore_mem>>) src(%dma_wait3A_24 : memref<632x128xf32, #tpu.memory_space<hbm>>) dst(%dma_wait3A_22 : memref<632x128xf32, #tpu.memory_space<vmem_shared>>)
      tpu.yield
    }) : () -> ()
    %barrier3A = arith.constant 0 : index
    tpu.barrier barrier_id(%barrier3A)
    %eq3A = arith.constant 0 : i32
    %eq3A_1 = arith.cmpi eq, %arg0, %eq3A : i32
    %jit3A = arith.constant 97 : i32
    %jit3A_2 = arith.constant 61 : i32
    %select_n3A = arith.select %eq3A_1, %jit3A, %jit3A_2 : i32
    %eq3A_3 = arith.constant 0 : i32
    %eq3A_4 = arith.cmpi eq, %arg0, %eq3A_3 : i32
    %mul3A_5 = arith.constant 97 : i32
    %mul3A_6 = arith.muli %arg1, %mul3A_5 : i32
    %mul3A_7 = arith.constant 61 : i32
    %mul3A_8 = arith.muli %arg1, %mul3A_7 : i32
    %add3A = arith.constant 1552 : i32
    %add3A_9 = arith.addi %add3A, %mul3A_8 : i32
    %select_n3A_10 = arith.select %eq3A_4, %mul3A_6, %add3A_9 : i32
    %scan3A = arith.constant 0 : i32
    %scan3A_11 = arith.constant 97 : i32
    %scan3A_12 = arith.addi %scan3A, %scan3A_11 : i32
    %scan3A_13 = arith.constant 1 : i32
    scf.for %scan3A_19 = %scan3A to %scan3A_12 step %scan3A_13  : i32 {
      %mul3A_20 = arith.constant 1 : i32
      %mul3A_21 = arith.muli %scan3A_19, %mul3A_20 : i32
      %add3A_22 = arith.constant 0 : i32
      %add3A_23 = arith.addi %add3A_22, %mul3A_21 : i32
      %lt3A = arith.cmpi slt, %add3A_23, %select_n3A : i32
      %convert_element_type3A = arith.extui %lt3A : i1 to i32
      %cond3A = arith.constant 0 : i32
      %cond3A_24 = arith.cmpi ne, %convert_element_type3A, %cond3A : i32
      scf.if %cond3A_24 {
        %add3A_25 = arith.addi %select_n3A_10, %add3A_23 : i32
        %mul3A_26 = arith.constant 128 : i32
        %mul3A_27 = arith.muli %add3A_25, %mul3A_26 : i32
        "tpu.region"() ({
          %run_scoped3A = tpu.sem_alloc : memref<!tpu.dma_semaphore, #tpu.memory_space<semaphore_mem>>
          %dma_start3A_32 = tpu.memref_slice %arg3[%mul3A_27] : memref<323584xi32, #tpu.memory_space<hbm>> -> memref<128xi32, #tpu.memory_space<hbm>>
          %dma_start3A_33 = tpu.memref_slice %arg3[%mul3A_27] : memref<323584xi32, #tpu.memory_space<hbm>> -> memref<128xi32, #tpu.memory_space<hbm>>
          tpu.enqueue_dma source(%dma_start3A_33 : memref<128xi32, #tpu.memory_space<hbm>>) target(%arg7 : memref<128xi32, #tpu.memory_space<vmem>>) target_semaphore(%run_scoped3A : memref<!tpu.dma_semaphore, #tpu.memory_space<semaphore_mem>>)
          %dma_wait3A_34 = tpu.memref_slice %arg3[%mul3A_27] : memref<323584xi32, #tpu.memory_space<hbm>> -> memref<128xi32, #tpu.memory_space<hbm>>
          %dma_wait3A_35 = tpu.memref_slice %arg3[%mul3A_27] : memref<323584xi32, #tpu.memory_space<hbm>> -> memref<128xi32, #tpu.memory_space<hbm>>
          tpu.wait_dma2 semaphore(%run_scoped3A : memref<!tpu.dma_semaphore, #tpu.memory_space<semaphore_mem>>) src(%dma_wait3A_35 : memref<128xi32, #tpu.memory_space<hbm>>) dst(%arg7 : memref<128xi32, #tpu.memory_space<vmem>>)
          tpu.yield
        }) : () -> ()
        "tpu.region"() ({
          %run_scoped3A = tpu.sem_alloc : memref<!tpu.dma_semaphore, #tpu.memory_space<semaphore_mem>>
          %dma_start3A_32 = tpu.memref_slice %arg4[%mul3A_27] : memref<323584xi32, #tpu.memory_space<hbm>> -> memref<128xi32, #tpu.memory_space<hbm>>
          %dma_start3A_33 = tpu.memref_slice %arg4[%mul3A_27] : memref<323584xi32, #tpu.memory_space<hbm>> -> memref<128xi32, #tpu.memory_space<hbm>>
          tpu.enqueue_dma source(%dma_start3A_33 : memref<128xi32, #tpu.memory_space<hbm>>) target(%arg8 : memref<128xi32, #tpu.memory_space<vmem>>) target_semaphore(%run_scoped3A : memref<!tpu.dma_semaphore, #tpu.memory_space<semaphore_mem>>)
          %dma_wait3A_34 = tpu.memref_slice %arg4[%mul3A_27] : memref<323584xi32, #tpu.memory_space<hbm>> -> memref<128xi32, #tpu.memory_space<hbm>>
          %dma_wait3A_35 = tpu.memref_slice %arg4[%mul3A_27] : memref<323584xi32, #tpu.memory_space<hbm>> -> memref<128xi32, #tpu.memory_space<hbm>>
          tpu.wait_dma2 semaphore(%run_scoped3A : memref<!tpu.dma_semaphore, #tpu.memory_space<semaphore_mem>>) src(%dma_wait3A_35 : memref<128xi32, #tpu.memory_space<hbm>>) dst(%arg8 : memref<128xi32, #tpu.memory_space<vmem>>)
          tpu.yield
        }) : () -> ()
        %dma_start3A = arith.constant 0 : i32
        %dma_start3A_28 = arith.constant 0 : i32
        %dma_start3A_29 = tpu.memref_slice %arg2[%dma_start3A, %dma_start3A_28] : memref<10000x128xf32, #tpu.memory_space<hbm>> -> memref<10000x128xf32, #tpu.memory_space<hbm>>
        tpu.enqueue_indirect_dma source(%dma_start3A_29 : memref<10000x128xf32, #tpu.memory_space<hbm>>) target(%arg9 : memref<128x128xf32, #tpu.memory_space<vmem>>) offsets(%arg7 : memref<128xi32, #tpu.memory_space<vmem>>) semaphore(%arg11 : memref<!tpu.dma_semaphore, #tpu.memory_space<semaphore_mem>>)
        %dma_wait3A = arith.constant 0 : i32
        %dma_wait3A_30 = arith.constant 0 : i32
        %dma_wait3A_31 = tpu.memref_slice %arg2[%dma_wait3A, %dma_wait3A_30] : memref<10000x128xf32, #tpu.memory_space<hbm>> -> memref<10000x128xf32, #tpu.memory_space<hbm>>
        tpu.wait_indirect_dma semaphore(%arg11 : memref<!tpu.dma_semaphore, #tpu.memory_space<semaphore_mem>>) src(%dma_wait3A_31 : memref<10000x128xf32, #tpu.memory_space<hbm>>) dst(%arg9 : memref<128x128xf32, #tpu.memory_space<vmem>>)
        "tpu.region"() ({
          %run_scoped3A = tpu.sem_alloc : memref<!tpu.dma_semaphore, #tpu.memory_space<semaphore_mem>>
          %dma_start3A_32 = arith.constant 0 : i32
          %dma_start3A_33 = arith.constant 0 : i32
          %dma_start3A_34 = tpu.memref_slice %arg10[%dma_start3A_32, %dma_start3A_33] : memref<10112x128xf32, #tpu.memory_space<vmem_shared>> -> memref<10112x128xf32, #tpu.memory_space<vmem_shared>>
          tpu.enqueue_indirect_dma source(%arg9 : memref<128x128xf32, #tpu.memory_space<vmem>>) target(%dma_start3A_34 : memref<10112x128xf32, #tpu.memory_space<vmem_shared>>) offsets(%arg8 : memref<128xi32, #tpu.memory_space<vmem>>) semaphore(%run_scoped3A : memref<!tpu.dma_semaphore, #tpu.memory_space<semaphore_mem>>) {add = true}
          %dma_wait3A_35 = arith.constant 0 : i32
          %dma_wait3A_36 = arith.constant 0 : i32
          %dma_wait3A_37 = tpu.memref_slice %arg10[%dma_wait3A_35, %dma_wait3A_36] : memref<10112x128xf32, #tpu.memory_space<vmem_shared>> -> memref<10112x128xf32, #tpu.memory_space<vmem_shared>>
          tpu.wait_indirect_dma semaphore(%run_scoped3A : memref<!tpu.dma_semaphore, #tpu.memory_space<semaphore_mem>>) src(%arg9 : memref<128x128xf32, #tpu.memory_space<vmem>>) dst(%dma_wait3A_37 : memref<10112x128xf32, #tpu.memory_space<vmem_shared>>)
          tpu.yield
        }) : () -> ()
      } else {
      }
    }
    %scan3A_14 = arith.constant 97 : i32
    %barrier3A_15 = arith.constant 0 : index
    tpu.barrier barrier_id(%barrier3A_15)
    %mul3A_16 = arith.constant 10112 : i32
    %mul3A_17 = arith.muli %arg0, %mul3A_16 : i32
    %add3A_18 = arith.addi %mul3A_17, %mul3A_0 : i32
    "tpu.region"() ({
      %run_scoped3A = tpu.sem_alloc : memref<!tpu.dma_semaphore, #tpu.memory_space<semaphore_mem>>
      %dma_start3A = arith.constant 0 : i32
      %dma_start3A_19 = tpu.memref_slice %arg6[%add3A_18, %dma_start3A] : memref<20224x128xf32, #tpu.memory_space<hbm>> -> memref<632x128xf32, #tpu.memory_space<hbm>>
      %dma_start3A_20 = arith.constant 0 : i32
      %dma_start3A_21 = tpu.memref_slice %arg10[%mul3A_0, %dma_start3A_20] : memref<10112x128xf32, #tpu.memory_space<vmem_shared>> -> memref<632x128xf32, #tpu.memory_space<vmem_shared>>
      tpu.enqueue_dma source(%dma_start3A_21 : memref<632x128xf32, #tpu.memory_space<vmem_shared>>) target(%dma_start3A_19 : memref<632x128xf32, #tpu.memory_space<hbm>>) target_semaphore(%run_scoped3A : memref<!tpu.dma_semaphore, #tpu.memory_space<semaphore_mem>>)
      %dma_wait3A = arith.constant 0 : i32
      %dma_wait3A_22 = tpu.memref_slice %arg6[%add3A_18, %dma_wait3A] : memref<20224x128xf32, #tpu.memory_space<hbm>> -> memref<632x128xf32, #tpu.memory_space<hbm>>
      %dma_wait3A_23 = arith.constant 0 : i32
      %dma_wait3A_24 = tpu.memref_slice %arg10[%mul3A_0, %dma_wait3A_23] : memref<10112x128xf32, #tpu.memory_space<vmem_shared>> -> memref<632x128xf32, #tpu.memory_space<vmem_shared>>
      tpu.wait_dma2 semaphore(%run_scoped3A : memref<!tpu.dma_semaphore, #tpu.memory_space<semaphore_mem>>) src(%dma_wait3A_24 : memref<632x128xf32, #tpu.memory_space<vmem_shared>>) dst(%dma_wait3A_22 : memref<632x128xf32, #tpu.memory_space<hbm>>)
      tpu.yield
    }) : () -> ()
    return
  }
}

module attributes {stable_mosaic.version = 14 : i64} {
  func.func @body(%arg0: i32, %arg1: memref<2000x128xf32, #tpu.memory_space<vmem>>, %arg2: memref<128x128xf32, #tpu.memory_space<vmem>>, %arg3: memref<2000x128xf32, #tpu.memory_space<vmem>>, %arg4: memref<2000x128xf32, #tpu.memory_space<vmem>>, %arg5: memref<2000x128xf32, #tpu.memory_space<vmem>>, %arg6: memref<2000x1xf32, #tpu.memory_space<vmem>>) attributes {dimension_semantics = [#tpu.dimension_semantics<arbitrary>], iteration_bounds = array<i64: 5>, scalar_prefetch = 0 : i64, scratch_operands = 0 : i64, tpu.core_type = #tpu.core_type<tc>, window_params = [{transform_indices = @transform_0, window_bounds = array<i64: 2000, 128>}, {pipeline_mode = #tpu.pipeline_mode<synchronous>, transform_indices = @transform_1, window_bounds = array<i64: 128, 128>}, {transform_indices = @transform_2, window_bounds = array<i64: 2000, 128>}, {transform_indices = @transform_3, window_bounds = array<i64: 2000, 128>}, {transform_indices = @transform_4, window_bounds = array<i64: 2000, 128>}, {transform_indices = @transform_5, window_bounds = array<i64: 2000, 1>}]} {
    %get3A = arith.constant 0 : index
    %get3A_0 = arith.constant 0 : index
    %get3A_1 = vector.load %arg3[%get3A, %get3A_0] : memref<2000x128xf32, #tpu.memory_space<vmem>>, vector<2000x1xf32>
    %get3A_2 = arith.constant 0 : index
    %get3A_3 = arith.constant 0 : index
    %get3A_4 = vector.load %arg4[%get3A_2, %get3A_3] : memref<2000x128xf32, #tpu.memory_space<vmem>>, vector<2000x1xf32>
    %add3A = arith.addf %get3A_1, %get3A_4 : vector<2000x1xf32>
    %add3A_5 = arith.constant 1.000000e+00 : f32
    %add3A_6 = vector.broadcast %add3A_5 : f32 to vector<2000x1xf32>
    %add3A_7 = arith.addf %add3A, %add3A_6 : vector<2000x1xf32>
    %rsqrt3A = math.rsqrt %add3A_7 : vector<2000x1xf32>
    %get3A_8 = arith.constant 0 : index
    %get3A_9 = arith.constant 0 : index
    %get3A_10 = vector.load %arg1[%get3A_8, %get3A_9] : memref<2000x128xf32, #tpu.memory_space<vmem>>, vector<2000x128xf32>
    %get3A_11 = arith.constant 0 : index
    %get3A_12 = arith.constant 0 : index
    %get3A_13 = vector.load %arg2[%get3A_11, %get3A_12] : memref<128x128xf32, #tpu.memory_space<vmem>>, vector<128x128xf32>
    %dot_general3A = arith.constant dense<0.000000e+00> : vector<2000x128xf32>
    %dot_general3A_14 = tpu.matmul %get3A_10, %get3A_13, %dot_general3A {dimension_numbers = #tpu.dot_dimension_numbers<[1], [0], [0], [1], [0, 0, 1, 1], [], []>, precision = #tpu.contract_precision<fp32>, transpose_lhs_hint = false} : vector<2000x128xf32>, vector<128x128xf32>, vector<2000x128xf32> -> vector<2000x128xf32>
    %mul3A = vector.broadcast %rsqrt3A : vector<2000x1xf32> to vector<2000x128xf32>
    %mul3A_15 = arith.mulf %dot_general3A_14, %mul3A : vector<2000x128xf32>
    %swap3A = arith.constant 0 : index
    %swap3A_16 = arith.constant 0 : index
    %swap3A_17 = vector.load %arg5[%swap3A, %swap3A_16] : memref<2000x128xf32, #tpu.memory_space<vmem>>, vector<2000x128xf32>
    tpu.vector_store %arg5[%swap3A, %swap3A_16], %mul3A_15 {strides = array<i32>} : memref<2000x128xf32, #tpu.memory_space<vmem>>, vector<2000x128xf32>,
    %swap3A_18 = arith.constant 0 : index
    %swap3A_19 = arith.constant 0 : index
    %swap3A_20 = vector.load %arg6[%swap3A_18, %swap3A_19] : memref<2000x1xf32, #tpu.memory_space<vmem>>, vector<2000x1xf32>
    tpu.vector_store %arg6[%swap3A_18, %swap3A_19], %rsqrt3A {strides = array<i32>} : memref<2000x1xf32, #tpu.memory_space<vmem>>, vector<2000x1xf32>,
    return
  }
  func.func @transform_0(%arg0: i32) -> (i32, i32) {
    %c0_i32 = arith.constant 0 : i32
    %c0_i32_0 = arith.constant 0 : i32
    return %arg0, %c0_i32 : i32, i32
  }
  func.func @transform_1(%arg0: i32) -> (i32, i32) {
    %c0_i32 = arith.constant 0 : i32
    %c0_i32_0 = arith.constant 0 : i32
    %c0_i32_1 = arith.constant 0 : i32
    return %c0_i32, %c0_i32_0 : i32, i32
  }
  func.func @transform_2(%arg0: i32) -> (i32, i32) {
    %c0_i32 = arith.constant 0 : i32
    %c0_i32_0 = arith.constant 0 : i32
    return %arg0, %c0_i32 : i32, i32
  }
  func.func @transform_3(%arg0: i32) -> (i32, i32) {
    %c0_i32 = arith.constant 0 : i32
    %c0_i32_0 = arith.constant 0 : i32
    return %arg0, %c0_i32 : i32, i32
  }
  func.func @transform_4(%arg0: i32) -> (i32, i32) {
    %c0_i32 = arith.constant 0 : i32
    %c0_i32_0 = arith.constant 0 : i32
    return %arg0, %c0_i32 : i32, i32
  }
  func.func @transform_5(%arg0: i32) -> (i32, i32) {
    %c0_i32 = arith.constant 0 : i32
    %c0_i32_0 = arith.constant 0 : i32
    return %arg0, %c0_i32 : i32, i32
  }
}

module attributes {stable_mosaic.version = 14 : i64} {
  func.func @body(%arg0: i32, %arg1: memref<2000x128xf32, #tpu.memory_space<vmem>>, %arg2: memref<2000x128xf32, #tpu.memory_space<vmem>>, %arg3: memref<2000x128xf32, #tpu.memory_space<vmem>>, %arg4: memref<2000x1xf32, #tpu.memory_space<vmem>>, %arg5: memref<1x128xf32, #tpu.memory_space<vmem>>, %arg6: memref<128x128xf32, #tpu.memory_space<vmem>>, %arg7: memref<2000x128xf32, #tpu.memory_space<vmem>>) attributes {dimension_semantics = [#tpu.dimension_semantics<arbitrary>], iteration_bounds = array<i64: 5>, scalar_prefetch = 0 : i64, scratch_operands = 0 : i64, tpu.core_type = #tpu.core_type<tc>, window_params = [{transform_indices = @transform_0, window_bounds = array<i64: 2000, 128>}, {transform_indices = @transform_1, window_bounds = array<i64: 2000, 128>}, {transform_indices = @transform_2, window_bounds = array<i64: 2000, 128>}, {transform_indices = @transform_3, window_bounds = array<i64: 2000, 1>}, {pipeline_mode = #tpu.pipeline_mode<synchronous>, transform_indices = @transform_4, window_bounds = array<i64: 1, 128>}, {pipeline_mode = #tpu.pipeline_mode<synchronous>, transform_indices = @transform_5, window_bounds = array<i64: 128, 128>}, {transform_indices = @transform_6, window_bounds = array<i64: 2000, 128>}]} {
    %get3A = arith.constant 0 : index
    %get3A_0 = arith.constant 0 : index
    %get3A_1 = vector.load %arg4[%get3A, %get3A_0] : memref<2000x1xf32, #tpu.memory_space<vmem>>, vector<2000x1xf32>
    %get3A_2 = arith.constant 0 : index
    %get3A_3 = arith.constant 0 : index
    %get3A_4 = vector.load %arg1[%get3A_2, %get3A_3] : memref<2000x128xf32, #tpu.memory_space<vmem>>, vector<2000x128xf32>
    %get3A_5 = arith.constant 0 : index
    %get3A_6 = arith.constant 0 : index
    %get3A_7 = vector.load %arg2[%get3A_5, %get3A_6] : memref<2000x128xf32, #tpu.memory_space<vmem>>, vector<2000x128xf32>
    %add3A = arith.addf %get3A_4, %get3A_7 : vector<2000x128xf32>
    %get3A_8 = arith.constant 0 : index
    %get3A_9 = arith.constant 0 : index
    %get3A_10 = vector.load %arg3[%get3A_8, %get3A_9] : memref<2000x128xf32, #tpu.memory_space<vmem>>, vector<2000x128xf32>
    %add3A_11 = arith.addf %add3A, %get3A_10 : vector<2000x128xf32>
    %mul3A = vector.broadcast %get3A_1 : vector<2000x1xf32> to vector<2000x128xf32>
    %mul3A_12 = arith.mulf %mul3A, %add3A_11 : vector<2000x128xf32>
    %get3A_13 = arith.constant 0 : index
    %get3A_14 = arith.constant 0 : index
    %get3A_15 = vector.load %arg5[%get3A_13, %get3A_14] : memref<1x128xf32, #tpu.memory_space<vmem>>, vector<1x128xf32>
    %add3A_16 = vector.broadcast %get3A_15 : vector<1x128xf32> to vector<2000x128xf32>
    %add3A_17 = arith.addf %mul3A_12, %add3A_16 : vector<2000x128xf32>
    %max3A = arith.constant 0.000000e+00 : f32
    %max3A_18 = vector.broadcast %max3A : f32 to vector<2000x128xf32>
    %max3A_19 = arith.maximumf %add3A_17, %max3A_18 : vector<2000x128xf32>
    %get3A_20 = arith.constant 0 : index
    %get3A_21 = arith.constant 0 : index
    %get3A_22 = vector.load %arg6[%get3A_20, %get3A_21] : memref<128x128xf32, #tpu.memory_space<vmem>>, vector<128x128xf32>
    %dot_general3A = arith.constant dense<0.000000e+00> : vector<2000x128xf32>
    %dot_general3A_23 = tpu.matmul %max3A_19, %get3A_22, %dot_general3A {dimension_numbers = #tpu.dot_dimension_numbers<[1], [0], [0], [1], [0, 0, 1, 1], [], []>, precision = #tpu.contract_precision<fp32>, transpose_lhs_hint = false} : vector<2000x128xf32>, vector<128x128xf32>, vector<2000x128xf32> -> vector<2000x128xf32>
    %mul3A_24 = vector.broadcast %get3A_1 : vector<2000x1xf32> to vector<2000x128xf32>
    %mul3A_25 = arith.mulf %dot_general3A_23, %mul3A_24 : vector<2000x128xf32>
    %swap3A = arith.constant 0 : index
    %swap3A_26 = arith.constant 0 : index
    %swap3A_27 = vector.load %arg7[%swap3A, %swap3A_26] : memref<2000x128xf32, #tpu.memory_space<vmem>>, vector<2000x128xf32>
    tpu.vector_store %arg7[%swap3A, %swap3A_26], %mul3A_25 {strides = array<i32>} : memref<2000x128xf32, #tpu.memory_space<vmem>>, vector<2000x128xf32>,
    return
  }
  func.func @transform_0(%arg0: i32) -> (i32, i32) {
    %c0_i32 = arith.constant 0 : i32
    %c0_i32_0 = arith.constant 0 : i32
    return %arg0, %c0_i32 : i32, i32
  }
  func.func @transform_1(%arg0: i32) -> (i32, i32) {
    %c0_i32 = arith.constant 0 : i32
    %c0_i32_0 = arith.constant 0 : i32
    return %arg0, %c0_i32 : i32, i32
  }
  func.func @transform_2(%arg0: i32) -> (i32, i32) {
    %c0_i32 = arith.constant 0 : i32
    %c0_i32_0 = arith.constant 0 : i32
    return %arg0, %c0_i32 : i32, i32
  }
  func.func @transform_3(%arg0: i32) -> (i32, i32) {
    %c0_i32 = arith.constant 0 : i32
    %c0_i32_0 = arith.constant 0 : i32
    return %arg0, %c0_i32 : i32, i32
  }
  func.func @transform_4(%arg0: i32) -> (i32, i32) {
    %c0_i32 = arith.constant 0 : i32
    %c0_i32_0 = arith.constant 0 : i32
    %c0_i32_1 = arith.constant 0 : i32
    return %c0_i32, %c0_i32_0 : i32, i32
  }
  func.func @transform_5(%arg0: i32) -> (i32, i32) {
    %c0_i32 = arith.constant 0 : i32
    %c0_i32_0 = arith.constant 0 : i32
    %c0_i32_1 = arith.constant 0 : i32
    return %c0_i32, %c0_i32_0 : i32, i32
  }
  func.func @transform_6(%arg0: i32) -> (i32, i32) {
    %c0_i32 = arith.constant 0 : i32
    %c0_i32_0 = arith.constant 0 : i32
    return %arg0, %c0_i32 : i32, i32
  }
}

module attributes {stable_mosaic.version = 14 : i64} {
  func.func @body(%arg0: i32, %arg1: memref<2000x128xf32, #tpu.memory_space<vmem>>, %arg2: memref<2000x128xf32, #tpu.memory_space<vmem>>, %arg3: memref<2000x128xf32, #tpu.memory_space<vmem>>, %arg4: memref<2000x1xf32, #tpu.memory_space<vmem>>, %arg5: memref<1x128xf32, #tpu.memory_space<vmem>>, %arg6: memref<2000x128xf32, #tpu.memory_space<vmem>>) attributes {dimension_semantics = [#tpu.dimension_semantics<arbitrary>], iteration_bounds = array<i64: 5>, scalar_prefetch = 0 : i64, scratch_operands = 0 : i64, tpu.core_type = #tpu.core_type<tc>, window_params = [{transform_indices = @transform_0, window_bounds = array<i64: 2000, 128>}, {transform_indices = @transform_1, window_bounds = array<i64: 2000, 128>}, {transform_indices = @transform_2, window_bounds = array<i64: 2000, 128>}, {transform_indices = @transform_3, window_bounds = array<i64: 2000, 1>}, {pipeline_mode = #tpu.pipeline_mode<synchronous>, transform_indices = @transform_4, window_bounds = array<i64: 1, 128>}, {transform_indices = @transform_5, window_bounds = array<i64: 2000, 128>}]} {
    %get3A = arith.constant 0 : index
    %get3A_0 = arith.constant 0 : index
    %get3A_1 = vector.load %arg4[%get3A, %get3A_0] : memref<2000x1xf32, #tpu.memory_space<vmem>>, vector<2000x1xf32>
    %get3A_2 = arith.constant 0 : index
    %get3A_3 = arith.constant 0 : index
    %get3A_4 = vector.load %arg1[%get3A_2, %get3A_3] : memref<2000x128xf32, #tpu.memory_space<vmem>>, vector<2000x128xf32>
    %get3A_5 = arith.constant 0 : index
    %get3A_6 = arith.constant 0 : index
    %get3A_7 = vector.load %arg2[%get3A_5, %get3A_6] : memref<2000x128xf32, #tpu.memory_space<vmem>>, vector<2000x128xf32>
    %add3A = arith.addf %get3A_4, %get3A_7 : vector<2000x128xf32>
    %get3A_8 = arith.constant 0 : index
    %get3A_9 = arith.constant 0 : index
    %get3A_10 = vector.load %arg3[%get3A_8, %get3A_9] : memref<2000x128xf32, #tpu.memory_space<vmem>>, vector<2000x128xf32>
    %add3A_11 = arith.addf %add3A, %get3A_10 : vector<2000x128xf32>
    %mul3A = vector.broadcast %get3A_1 : vector<2000x1xf32> to vector<2000x128xf32>
    %mul3A_12 = arith.mulf %mul3A, %add3A_11 : vector<2000x128xf32>
    %get3A_13 = arith.constant 0 : index
    %get3A_14 = arith.constant 0 : index
    %get3A_15 = vector.load %arg5[%get3A_13, %get3A_14] : memref<1x128xf32, #tpu.memory_space<vmem>>, vector<1x128xf32>
    %add3A_16 = vector.broadcast %get3A_15 : vector<1x128xf32> to vector<2000x128xf32>
    %add3A_17 = arith.addf %mul3A_12, %add3A_16 : vector<2000x128xf32>
    %swap3A = arith.constant 0 : index
    %swap3A_18 = arith.constant 0 : index
    %swap3A_19 = vector.load %arg6[%swap3A, %swap3A_18] : memref<2000x128xf32, #tpu.memory_space<vmem>>, vector<2000x128xf32>
    tpu.vector_store %arg6[%swap3A, %swap3A_18], %add3A_17 {strides = array<i32>} : memref<2000x128xf32, #tpu.memory_space<vmem>>, vector<2000x128xf32>,
    return
  }
  func.func @transform_0(%arg0: i32) -> (i32, i32) {
    %c0_i32 = arith.constant 0 : i32
    %c0_i32_0 = arith.constant 0 : i32
    return %arg0, %c0_i32 : i32, i32
  }
  func.func @transform_1(%arg0: i32) -> (i32, i32) {
    %c0_i32 = arith.constant 0 : i32
    %c0_i32_0 = arith.constant 0 : i32
    return %arg0, %c0_i32 : i32, i32
  }
  func.func @transform_2(%arg0: i32) -> (i32, i32) {
    %c0_i32 = arith.constant 0 : i32
    %c0_i32_0 = arith.constant 0 : i32
    return %arg0, %c0_i32 : i32, i32
  }
  func.func @transform_3(%arg0: i32) -> (i32, i32) {
    %c0_i32 = arith.constant 0 : i32
    %c0_i32_0 = arith.constant 0 : i32
    return %arg0, %c0_i32 : i32, i32
  }
  func.func @transform_4(%arg0: i32) -> (i32, i32) {
    %c0_i32 = arith.constant 0 : i32
    %c0_i32_0 = arith.constant 0 : i32
    %c0_i32_1 = arith.constant 0 : i32
    return %c0_i32, %c0_i32_0 : i32, i32
  }
  func.func @transform_5(%arg0: i32) -> (i32, i32) {
    %c0_i32 = arith.constant 0 : i32
    %c0_i32_0 = arith.constant 0 : i32
    return %arg0, %c0_i32 : i32, i32
  }
}

</mosaic_0001>

<sc_bundles>
// kernel: kernel.10.cloned.1.call-start
scs
__scs_entry_jumppad:
0x0: {  	(pc) =	sbr.rel $0x88, $3  }
0x1: {  	(tag) =	ssettag $0x0;
	lr =	simm.s32 $0x1  }
0x2: {  	[smem:$0x3F99] =	sst lr;
	_ =	strace $0xD0000000  }
0x3: {  	_ = 	snop  }
0x4: {  	_ = 	snop  }
0x5: {  	_ = 	snop  }
0x6: {  	_ = 	snop  }
0x7: {  	_ = 	snop  }
__scs_overlays_trampoline_lowered:
0x8: {  	[smem:$0x3FA8] =	sst s0  }
0x9: {  	[smem:$0x3FA9] =	sst s1  }
0xa: {  	[smem:$0x3FAA] =	sst s2  }
0xb: {  	[smem:$0x3FAB] =	sst s3  }
0xc: {  	[smem:$0x3FAC] =	sst s4  }
0xd: {  	[smem:$0x3FAD] =	sst s5  }
0xe: {  	[smem:$0x3FAE] =	sst s6  }
0xf: {  	[smem:$0x3FAF] =	sst s7  }
0x10: {  	[smem:$0x3FB0] =	sst s8  }
0x11: {  	[smem:$0x3FB1] =	sst s9;
	s0 =	simm.s32 @!p0 $0x0  }
0x12: {  	s1 =	sld [smem:$0x3F97];
	s0 =	simm.s32 @p0 $0x1  }
0x13: {  	[smem:$0x3FB2] =	sst s0;
	s0 =	simm.s32 @!p1 $0x0  }
0x14: {  	s2 =	sld [smem:$0x3F96];
	s0 =	simm.s32 @p1 $0x1  }
0x15: {  	[smem:$0x3FB3] =	sst s0;
	s0 =	simm.s32 @!p2 $0x0  }
0x16: {  	s3 =	sld [smem:$0x3FDB];
	s0 =	simm.s32 @p2 $0x1  }
0x17: {  	s4 =	simm.s32 $0x1BF5;
	[smem:$0x3FB5] =	sst s0  }
0x18: {  	s0 =	sld [smem:$0x3F98];
	_ =	swait.ge [sflag:s4], $0x0  }
0x19: {  	s7 =	sld [smem:$0x3F99]  }
0x1a: {  	s8 =	sadd.s32 $0xFFFFE003, lr  }
0x1b: {  	s9 =	sadd.s32 $0xFFFFFEF7, lr;
	s5 =	simm.s32 $0xFFFFFFFF;
	p2 =	slt.u32 s8, $0xFFFFF086  }
0x1c: {  	p1 =	slt.u32 s9, $0xF7A;
	s5 =	simm.s32 @!p2 $0x0  }
0x1d: {  	s5 =	simm.s32 @p1 $0x1;
	p0 =	seq.s32 s7, s2  }
0x1e: {  	s7 =	smul.u32 @!p0 $0xF7A, s2;
	p2 =	seq.s32 @!p0 s5, $0x0  }
0x1f: {  	s9 =	smul.u32 $0xF7A, s1;
	s8 =	simm.s32 @!p0 $0x1BF5;
	p2 =	por !p2, p0  }
0x20: {  	[sflag:s8] =	ssyncset.s32 @!p0 $0xFFFFF086;
	s6 =	sadd.s32 @!p0 s3, s7;
	s7 =	simm.s32 @!p0 $0x108  }
0x21: {  	s3 =	sadd.s32 s3, s9;
	s6 =	sadd.s32 @!p0 $0x88, s6;
	s7 =	simm.s32 @p2 $0x1082  }
0x22: {  	[simem:s7], [sflag:s8] =	dma.local @!p0 [hbm:s6], $0xF7A  }
0x23: {  	s9 =	sor.u32 $0xD0000000, s2;
	s6 =	simm.s32 $0x108;
	_ =	swait.ge @!p0 [sflag:s8], $0x0  }
0x24: {  	s3 =	sadd.s32 $0x88, s3;
	s6 =	simm.s32 @!p1 $0x1082;
	[sflag:s4] =	ssyncset.s32 $0xFFFFF086  }
0x25: {  	[simem:s6], [sflag:s4] =	dma.local [hbm:s3], $0xF7A  }
0x26: {  	[smem:$0x3F99] =	sst s1;
	(tag) =	ssettag s2;
	_ =	strace s9  }
0x27: {  	s1 =	sld [smem:$0x3FA9]  }
0x28: {  	s2 =	sld [smem:$0x3FAA]  }
0x29: {  	s4 =	sld [smem:$0x3FAC]  }
0x2a: {  	p0 =	seq.s32 s5, $0x0;
	s5 =	sld [smem:$0x3FAD]  }
0x2b: {  	s6 =	sld [smem:$0x3FAE]  }
0x2c: {  	s7 =	sld [smem:$0x3FAF]  }
0x2d: {  	s3 =	simm.s32 $0x108;
	s8 =	sld [smem:$0x3FB0]  }
0x2e: {  	s3 =	simm.s32 @!p0 $0x1082;
	s9 =	sld [smem:$0x3FB1]  }
0x2f: {  	lr =	sadd.s32 s0, s3;
	s0 =	sld [smem:$0x3FA8]  }
0x30: {  	s3 =	sld [smem:$0x3FAB]  }
0x31: {  	[smem:$0x3FB4] =	sst s10  }
0x32: {  	s10 =	sld [smem:$0x3FB2];
	_ =	sdelay $0x3  }
0x33: {  	p0 =	seq.s32 s10, $0x1;
	s10 =	sld [smem:$0x3FB4];
	_ =	sdelay $0x3  }
0x34: {  	[smem:$0x3FB4] =	sst s10  }
0x35: {  	s10 =	sld [smem:$0x3FB3];
	_ =	sdelay $0x3  }
0x36: {  	p1 =	seq.s32 s10, $0x1;
	s10 =	sld [smem:$0x3FB4];
	_ =	sdelay $0x3  }
0x37: {  	[smem:$0x3FB4] =	sst s10  }
0x38: {  	s10 =	sld [smem:$0x3FB5]  }
0x39: {  	_ = 	snop;
	(pc) =	sbr.ind lr, $3  }
0x3a: {  	_ = 	snop  }
0x3b: {  	_ = 	snop  }
0x3c: {  	p2 =	seq.s32 s10, $0x1;
	s10 =	sld [smem:$0x3FB4]  }
0x3d: {  	_ =	shalt  }
0x3e: {  	_ =	shalt  }
0x3f: {  	_ =	shalt  }
0x40: {  	_ =	shalt  }
0x41: {  	_ =	shalt  }
0x42: {  	_ =	shalt  }
0x43: {  	_ =	shalt  }
0x44: {  	_ =	shalt  }
0x45: {  	_ =	shalt  }
0x46: {  	_ =	shalt  }
0x47: {  	_ =	shalt  }
0x48: {  	_ =	shalt  }
0x49: {  	_ =	shalt  }
0x4a: {  	_ =	shalt  }
0x4b: {  	_ =	shalt  }
0x4c: {  	_ =	shalt  }
0x4d: {  	_ =	shalt  }
0x4e: {  	_ =	shalt  }
0x4f: {  	_ =	shalt  }
0x50: {  	_ =	shalt  }
0x51: {  	_ =	shalt  }
0x52: {  	_ =	shalt  }
0x53: {  	_ =	shalt  }
0x54: {  	_ =	shalt  }
0x55: {  	_ =	shalt  }
0x56: {  	_ =	shalt  }
0x57: {  	_ =	shalt  }
0x58: {  	_ =	shalt  }
0x59: {  	_ =	shalt  }
0x5a: {  	_ =	shalt  }
0x5b: {  	_ =	shalt  }
0x5c: {  	_ =	shalt  }
0x5d: {  	_ =	shalt  }
0x5e: {  	_ =	shalt  }
0x5f: {  	_ =	shalt  }
0x60: {  	_ =	shalt  }
0x61: {  	_ =	shalt  }
0x62: {  	_ =	shalt  }
0x63: {  	_ =	shalt  }
0x64: {  	_ =	shalt  }
0x65: {  	_ =	shalt  }
0x66: {  	_ =	shalt  }
0x67: {  	_ =	shalt  }
0x68: {  	_ =	shalt  }
0x69: {  	_ =	shalt  }
0x6a: {  	_ =	shalt  }
0x6b: {  	_ =	shalt  }
0x6c: {  	_ =	shalt  }
0x6d: {  	_ =	shalt  }
0x6e: {  	_ =	shalt  }
0x6f: {  	_ =	shalt  }
0x70: {  	_ =	shalt  }
0x71: {  	_ =	shalt  }
0x72: {  	_ =	shalt  }
0x73: {  	_ =	shalt  }
0x74: {  	_ =	shalt  }
0x75: {  	_ =	shalt  }
0x76: {  	_ =	shalt  }
0x77: {  	_ =	shalt  }
0x78: {  	_ =	shalt  }
0x79: {  	_ =	shalt  }
0x7a: {  	_ =	shalt  }
0x7b: {  	_ =	shalt  }
0x7c: {  	_ =	shalt  }
0x7d: {  	_ =	shalt  }
0x7e: {  	_ =	shalt  }
0x7f: {  	_ =	shalt  }
0x80: {  	_ =	shalt  }
0x81: {  	_ =	shalt  }
0x82: {  	_ =	shalt  }
0x83: {  	_ =	shalt  }
0x84: {  	_ =	shalt  }
0x85: {  	_ =	shalt  }
0x86: {  	_ =	shalt  }
0x87: {  	_ =	shalt  }
.Lfunc_end0:
.L_simem_size_0:
called_computation_lowered:
.L_overlay_start_0:
0x88: {  	s2 =	sld [smem:$0x3FD9]  }
0x89: {  	s3 =	sld [smem:$0x3FFE];
	_ =	sdelay $0x1  }
0x8a: {  	s1 =	srdreg.scid  }
0x8b: {  	s0 =	sand.u32 $0x1, s1  }
0x8c: {  	s17 =	sshll.u32 s0, $0xA;
	s2 =	sadd.s32 s3, s2  }
0x8d: {  	s2 =	sadd.s32 s2, s17  }
0x8e: {  	[smem:$0x3FC0] =	sst s2  }
0x8f: {  	_ = 	snop  }
0x90: {  	s2 =	sld [smem:$0x3FD0];
	(tm) =	ssettm $0x1  }
0x91: {  	s18 =	sld [smem:$0x3FFB];
	_ =	sdelay $0x3  }
0x92: {  	_ =	strace s18  }
0x93: {  	s3 =	sld [smem:$0x3FFC];
	_ =	sdelay $0x3  }
0x94: {  	_ =	strace s3  }
0x95: {  	s3 =	sld [smem:$0x3FFD];
	_ =	sdelay $0x3  }
0x96: {  	_ =	strace s3  }
0x97: {  	_ =	strace $0x8FFFFFFF  }
0x98: {  	s19 =	sld [smem:$0x3FDB];
	_ =	sdelay $0x1  }
0x99: {  	s4 =	simm.s32 $_scs_section_size  }
0x9a: {  	s5 =	simm.s32 $_size__tile_overlayer_lowered;
	s6 =	simm.s32 $_tile_overlayer_lowered  }
0x9b: {  	s22 =	simm.s32 $0x1BFF;
	s21 =	sshll.u32 s6, $0x1;
	s3 =	sadd.s32 s4, s19  }
0x9c: {  	s7 =	simm.s32 $0x0;
	s20 =	sshll.u32 s5, $0x1;
	s5 =	sadd.s32 s21, s3  }
0x9d: {  	[timem:s7], [sflag:s22] =	dma.local [hbm:s5], s20  }
0x9e: {  	_ =	swait.ge [sflag:s22], s20  }
0x9f: {  	s4 =	ssub.s32 $0x0, s20;
	[sflag:s22] =	ssyncset.done $0x0  }
0xa0: {  	[sflag:s22] =	ssyncadd.s32 s4;
	_ =	sdelay $0x1  }
0xa1: {  	s23 =	simm.s32 $0x1B8B  }
0xa2: {  	_ =	swait.ge [sflag:s23], $0x1  }
0xa3: {  	[sflag:s23] =	ssyncset.done $0x0  }
0xa4: {  	s25 =	simm.s32 $0x1B8E;
	s24 =	sld [smem:$0x3FFE];
	[sflag:s23] =	ssyncadd.s32 $0xFFFFFFFF  }
0xa5: {  	s26 =	simm.s32 $execute0_lowered;
	[smem:$0x3FD2] =	sst s25  }
0xa6: {  	s5 =	sshll.u32 s26, $0x1;
	_ =	strace $0x80000046;
	[dreg:$0x1] =	wrdreg $0xFFFFFFFF  }
0xa7: {  	s28 =	simm.s32 $_size_execute0_lowered;
	s3 =	sadd.s32 s3, s5;
	[dreg:$0x0] =	wrdreg $0x0  }
0xa8: {  	s5 =	sshll.u32 s28, $0x1;
	[dreg:$0x2] =	wrdreg s3  }
0xa9: {  	[dreg:$0x3] =	wrdreg s5  }
0xaa: {  	[dreg:$0x4] =	wrdreg $0xC0  }
0xab: {  	_ =	task [dreg:s7], $0x5FFFF  }
0xac: {  	[dreg:$0x1] =	wrdreg $0xFFFFFFFF  }
0xad: {  	[dreg:$0x0] =	wrdreg $0x60  }
0xae: {  	[dreg:$0x2] =	wrdreg s24  }
0xaf: {  	[dreg:$0x3] =	wrdreg s2  }
0xb0: {  	[dreg:$0x4] =	wrdreg $0x40800  }
0xb1: {  	[dreg:$0x5] =	wrdreg $0x9  }
0xb2: {  	_ =	task.clear_ibuf [dreg:s7], $0x6FFFF;
	_ =	strace $0x90000046  }
0xb3: {  	s29 =	simm.s32 $0x9;
	_ =	strace $0x80000048  }
0xb4: {  	_ =	swait.ge [sflag:s29], $0x1  }
0xb5: {  	[sflag:s29] =	ssyncadd.s32 $0xFFFFFFFF  }
0xb6: {  	_ =	strace $0x90000048  }
0xb7: {  	_ =	sfence  }
0xb8: {  	s30 =	sld [smem:$0x0];
	_ =	sdelay $0x2  }
0xb9: {  	s31 =	sshll.u32 s1, $0xD;
	s1 =	sshrl.u32 s1, $0x2  }
0xba: {  	s3 =	sand.u32 $0x4000, s31;
	s1 =	sadd.s32 s1, s30  }
0xbb: {  	s0 =	sor.u32 s3, s0;
	s1 =	sshll.u32 s1, $0x11  }
0xbc: {  	s0 =	sor.u32 s1, s0  }
0xbd: {  	s0 =	sadd.s32 $0x8F2B, s0  }
0xbe: {  	[sflag:s0] =	ssyncadd.remote.s32 $0x1  }
0xbf: {  	_ =	sfence.sel $0xFFFF  }
0xc0: {  	[dreg:$0x0] =	wrdreg $0xFFFFFFFF;
	(pc) =	sbr.abs _section_cstart, $3  }
0xc1: {  	[dreg:$0x1] =	wrdreg $0xFFFFFFFF  }
0xc2: {  	_ =	task.clear_ibuf [dreg:s7], $0x2FFFF;
	_ =	strace $0x9FFFFFFF  }
0xc3: {  	(tm) =	ssettm $0x7FFFFFFF  }
tec
execute0_lowered:
.L_overlay_start_1:
0x0: {  	(tag) =	ssettag $0x1  }
0x1: {  	s5 =	rddreg [dreg:$0x0];
	s3 =	srdreg.scid  }
0x2: {  	s1 =	rddreg [dreg:$0x1];
	s6 =	sand.u32 $0x1, s3  }
0x3: {  	s3 =	stileid.u32;
	s7 =	smul.u32 $0x4F00, s6  }
0x4: {  	s2 =	rddreg [dreg:$0x2];
	s4 =	simm.s32 $0x0;
	s8 =	smul.u32 $0x2780, s3  }
0x5: {  	[smem:$0x7FF] =	sst s4;
	s9 =	smul.u32 $0x27800, s6  }
0x6: {  	s0 =	rddreg [dreg:$0x3];
	_ =	strace $0x80000047;
	s11 =	smul.u32 $0x4F000, s3  }
0x7: {  	s6 =	ssub.s32 $0x2, s6;
	s12 =	smul.u32 $0x4F0, s3;
	s31 =	sshll.u32 s3, $0x6  }
0x8: {  	s28 =	sshrl.u32 s6, $0x1;
	s7 =	sadd.s32 s7, s5;
	s10 =	sadd.s32 s8, s5  }
0x9: {  	s8 =	sadd.s32 s8, s9;
	s9 =	ssub.s32 s6, s28;
	s29 =	sshrl.u32 s11, $0x2  }
0xa: {  	s11 =	sor.u32 $0x1C01, s31;
	s8 =	sadd.s32 s8, s5;
	s13 =	sadd.s32 s29, s2  }
0xb: {  	s5 =	sadd.s32 $0xE600, s10;
	s30 =	sadd.s32 s12, s7;
	s7 =	smax.u32 s9, $0x1  }
0xc: {  	s9 =	simm.s32 $0x80;
	s10 =	simm.s32 $0x1;
	s6 =	sadd.s32 $0x35E00, s8  }
0xd: {  	s8 =	sadd.s32 $0x4800, s30;
	s12 =	sshrl.u32 s13, $0x3;
	s13 =	simm.s32 $0x0  }
.LBB2_1:
0xe: {  	[tilespmem:s9], [sflag:$0x1] =	stream.linear.gather [hbm4b:s1+s4], $0x4000, $0x38;
	[tilespmem:$0x17C80] =	vst v63  }
0xf: {  	_ =	swait.ge [sflag:s10], $0x4000  }
0x10: {  	[sflag:s10] =	ssyncset.done $0x0  }
0x11: {  	[sflag:s10] =	ssyncadd.s32 $0xFFFFC000  }
0x12: {  	[spmem:s12], [sflag:s11] =	dma.local [hbm:s5], $0x2780  }
0x13: {  	_ =	swait.ge [sflag:s10], $0x2780  }
0x14: {  	[sflag:s10] =	ssyncset.done $0x0  }
0x15: {  	[sflag:s10] =	ssyncadd.s32 $0xFFFFD880  }
0x16: {  	s14 =	sadd.s32 $0x0, s8;
	[bflag:$0x0] =	sbarrier.arrive $0xFFFF  }
0x17: {  	[tilespmem:s4], [sflag:$0x1] =	stream.linear.gather [hbm4b:s14+s4], $0x80, $0x38;
	[tilespmem:$0x17C80] =	vst v63  }
0x18: {  	_ =	swait.ge [sflag:s10], $0x80  }
0x19: {  	[sflag:s10] =	ssyncset.done $0x0  }
0x1a: {  	[sflag:s10] =	ssyncadd.s32 $0xFFFFFF80  }
0x1b: {  	[spmem:s2] =	stream.indirect.scatter.add.f32 [tilespmem:s9], [sflag:$0x1], $0x80, s4, s9, $0xb8;
	[tilespmem:$0x17C80] =	vst v63  }
0x1c: {  	_ =	swait.ge [sflag:s10], $0x4000  }
0x1d: {  	s15 =	simm.s32 $0x20;
	s14 =	simm.s32 $0x10;
	[sflag:s10] =	ssyncset.done $0x0  }
.LBB2_2:
0x1e: {  	s16 =	sadd.s32 s14, s8  }
0x1f: {  	[sflag:s10] =	ssyncadd.s32 $0xFFFFC000;
	s14 =	smov.u32 s15;
	s17 =	sadd.s32 $0x10, s15  }
0x20: {  	[tilespmem:s4], [sflag:$0x1] =	stream.linear.gather [hbm4b:s16+s4], $0x80, $0x38;
	[tilespmem:$0x17C80] =	vst v63  }
0x21: {  	p0 =	sne.s32 s15, $0x4E0;
	_ =	swait.ge [sflag:s10], $0x80  }
.Ltmp0:
0x22: {  	[sflag:s10] =	ssyncset.done $0x0;
	(pc) =	sbr.rel @p0 .LBB2_2-.Ltmp0, $4  }
0x23: {  	[sflag:s10] =	ssyncadd.s32 $0xFFFFFF80  }
0x24: {  	[spmem:s2] =	stream.indirect.scatter.add.f32 [tilespmem:s9], [sflag:$0x1], $0x80, s4, s9, $0xb8;
	[tilespmem:$0x17C80] =	vst v63  }
0x25: {  	_ =	swait.ge [sflag:s10], $0x4000  }
0x26: {  	s15 =	smov.u32 s17;
	[sflag:s10] =	ssyncset.done $0x0  }
0x27: {  	s14 =	sadd.s32 s14, s8;
	[sflag:s10] =	ssyncadd.s32 $0xFFFFC000  }
0x28: {  	[tilespmem:s4], [sflag:$0x1] =	stream.linear.gather [hbm4b:s14+s4], $0x80, $0x38;
	[tilespmem:$0x17C80] =	vst v63  }
0x29: {  	_ =	swait.ge [sflag:s10], $0x80  }
0x2a: {  	[sflag:s10] =	ssyncset.done $0x0  }
0x2b: {  	[sflag:s10] =	ssyncadd.s32 $0xFFFFFF80  }
0x2c: {  	[spmem:s2] =	stream.indirect.scatter.add.f32 [tilespmem:s9], [sflag:$0x1], $0x80, s4, s9, $0xb8;
	[tilespmem:$0x17C80] =	vst v63  }
0x2d: {  	_ =	swait.ge [sflag:s10], $0x4000  }
0x2e: {  	s13 =	sadd.s32 $0x1, s13;
	[sflag:s10] =	ssyncset.done $0x0  }
0x2f: {  	p0 =	sne.s32 s13, s7;
	[sflag:s10] =	ssyncadd.s32 $0xFFFFC000  }
.Ltmp1:
0x30: {  	[bflag:$0x0] =	sbarrier.arrive $0xFFFF;
	(pc) =	sbr.rel @p0 .LBB2_1-.Ltmp1, $4  }
0x31: {  	[hbm:s6], [sflag:s11] =	dma.local [spmem:s12], $0x2780  }
0x32: {  	_ =	swait.ge [sflag:s10], $0x2780  }
0x33: {  	[sflag:s10] =	ssyncset.done $0x0  }
0x34: {  	[sflag:s10] =	ssyncadd.s32 $0xFFFFD880  }
0x35: {  	_ =	sfence.sel $0x180000  }
0x36: {  	[bflag:$0x0] =	sbarrier.arrive $0xFFFF  }
0x37: {  	p0 =	sne.s32 s3, $0x0;
	_ =	strace $0x90000047  }
0x38: {  	s0 =	sadd.s32 @!p0 $0x100000, s0;
	[bflag:$0x2] =	sbarrier.arrive $0xFFFF  }
0x39: {  	[sflag:s0] =	ssyncadd.tile.s32 @!p0 $0x1;
	_ =	shalt  }
.Lfunc_end2:
_tile_overlayer_lowered:
.L_overlay_start_2:
0x3a: {  	(tag) =	ssettag $0x2  }
0x3b: {  	s0 =	rddreg [dreg:$0x0];
	s2 =	stileid.u32  }
0x3c: {  	s1 =	rddreg [dreg:$0x1];
	p0 =	sne.s32 s2, $0x0  }
0x3d: {  	s3 =	rddreg [dreg:$0x2];
	[bflag:$0x3] =	sbarrier.arrive $0xFFFF;
	s2 =	simm.s32 @!p0 $0x1C01  }
0x3e: {  	[timem:s3], [sflag:s2] =	dma.local @!p0 [hbm:s0], s1  }
0x3f: {  	s0 =	simm.s32 @!p0 $0x1  }
0x40: {  	_ =	swait.ge @!p0 [sflag:s0], s1  }
0x41: {  	s1 =	ssub.s32 @!p0 $0x0, s1;
	[sflag:s0] =	ssyncset.done @!p0 $0x0  }
0x42: {  	[sflag:s0] =	ssyncadd.s32 @!p0 s1  }
0x43: {  	[bflag:$0x3] =	sbarrier.arrive $0xFFFF  }
0x44: {  	_ =	shalt  }

// kernel: kernel.13.cloned.1.call-start
scs
__scs_entry_jumppad:
0x0: {  	(pc) =	sbr.rel $0x88, $3  }
0x1: {  	(tag) =	ssettag $0x0;
	lr =	simm.s32 $0x1  }
0x2: {  	[smem:$0x3F99] =	sst lr;
	_ =	strace $0xD0000000  }
0x3: {  	_ = 	snop  }
0x4: {  	_ = 	snop  }
0x5: {  	_ = 	snop  }
0x6: {  	_ = 	snop  }
0x7: {  	_ = 	snop  }
__scs_overlays_trampoline_lowered:
0x8: {  	[smem:$0x3FA8] =	sst s0  }
0x9: {  	[smem:$0x3FA9] =	sst s1  }
0xa: {  	[smem:$0x3FAA] =	sst s2  }
0xb: {  	[smem:$0x3FAB] =	sst s3  }
0xc: {  	[smem:$0x3FAC] =	sst s4  }
0xd: {  	[smem:$0x3FAD] =	sst s5  }
0xe: {  	[smem:$0x3FAE] =	sst s6  }
0xf: {  	[smem:$0x3FAF] =	sst s7  }
0x10: {  	[smem:$0x3FB0] =	sst s8  }
0x11: {  	[smem:$0x3FB1] =	sst s9;
	s0 =	simm.s32 @!p0 $0x0  }
0x12: {  	s1 =	sld [smem:$0x3F97];
	s0 =	simm.s32 @p0 $0x1  }
0x13: {  	[smem:$0x3FB2] =	sst s0;
	s0 =	simm.s32 @!p1 $0x0  }
0x14: {  	s2 =	sld [smem:$0x3F96];
	s0 =	simm.s32 @p1 $0x1  }
0x15: {  	[smem:$0x3FB3] =	sst s0;
	s0 =	simm.s32 @!p2 $0x0  }
0x16: {  	s3 =	sld [smem:$0x3FDB];
	s0 =	simm.s32 @p2 $0x1  }
0x17: {  	s4 =	simm.s32 $0x1BF5;
	[smem:$0x3FB5] =	sst s0  }
0x18: {  	s0 =	sld [smem:$0x3F98];
	_ =	swait.ge [sflag:s4], $0x0  }
0x19: {  	s7 =	sld [smem:$0x3F99]  }
0x1a: {  	s8 =	sadd.s32 $0xFFFFE003, lr  }
0x1b: {  	s9 =	sadd.s32 $0xFFFFFEF7, lr;
	s5 =	simm.s32 $0xFFFFFFFF;
	p2 =	slt.u32 s8, $0xFFFFF086  }
0x1c: {  	p1 =	slt.u32 s9, $0xF7A;
	s5 =	simm.s32 @!p2 $0x0  }
0x1d: {  	s5 =	simm.s32 @p1 $0x1;
	p0 =	seq.s32 s7, s2  }
0x1e: {  	s7 =	smul.u32 @!p0 $0xF7A, s2;
	p2 =	seq.s32 @!p0 s5, $0x0  }
0x1f: {  	s9 =	smul.u32 $0xF7A, s1;
	s8 =	simm.s32 @!p0 $0x1BF5;
	p2 =	por !p2, p0  }
0x20: {  	[sflag:s8] =	ssyncset.s32 @!p0 $0xFFFFF086;
	s6 =	sadd.s32 @!p0 s3, s7;
	s7 =	simm.s32 @!p0 $0x108  }
0x21: {  	s3 =	sadd.s32 s3, s9;
	s6 =	sadd.s32 @!p0 $0x88, s6;
	s7 =	simm.s32 @p2 $0x1082  }
0x22: {  	[simem:s7], [sflag:s8] =	dma.local @!p0 [hbm:s6], $0xF7A  }
0x23: {  	s9 =	sor.u32 $0xD0000000, s2;
	s6 =	simm.s32 $0x108;
	_ =	swait.ge @!p0 [sflag:s8], $0x0  }
0x24: {  	s3 =	sadd.s32 $0x88, s3;
	s6 =	simm.s32 @!p1 $0x1082;
	[sflag:s4] =	ssyncset.s32 $0xFFFFF086  }
0x25: {  	[simem:s6], [sflag:s4] =	dma.local [hbm:s3], $0xF7A  }
0x26: {  	[smem:$0x3F99] =	sst s1;
	(tag) =	ssettag s2;
	_ =	strace s9  }
0x27: {  	s1 =	sld [smem:$0x3FA9]  }
0x28: {  	s2 =	sld [smem:$0x3FAA]  }
0x29: {  	s4 =	sld [smem:$0x3FAC]  }
0x2a: {  	p0 =	seq.s32 s5, $0x0;
	s5 =	sld [smem:$0x3FAD]  }
0x2b: {  	s6 =	sld [smem:$0x3FAE]  }
0x2c: {  	s7 =	sld [smem:$0x3FAF]  }
0x2d: {  	s3 =	simm.s32 $0x108;
	s8 =	sld [smem:$0x3FB0]  }
0x2e: {  	s3 =	simm.s32 @!p0 $0x1082;
	s9 =	sld [smem:$0x3FB1]  }
0x2f: {  	lr =	sadd.s32 s0, s3;
	s0 =	sld [smem:$0x3FA8]  }
0x30: {  	s3 =	sld [smem:$0x3FAB]  }
0x31: {  	[smem:$0x3FB4] =	sst s10  }
0x32: {  	s10 =	sld [smem:$0x3FB2];
	_ =	sdelay $0x3  }
0x33: {  	p0 =	seq.s32 s10, $0x1;
	s10 =	sld [smem:$0x3FB4];
	_ =	sdelay $0x3  }
0x34: {  	[smem:$0x3FB4] =	sst s10  }
0x35: {  	s10 =	sld [smem:$0x3FB3];
	_ =	sdelay $0x3  }
0x36: {  	p1 =	seq.s32 s10, $0x1;
	s10 =	sld [smem:$0x3FB4];
	_ =	sdelay $0x3  }
0x37: {  	[smem:$0x3FB4] =	sst s10  }
0x38: {  	s10 =	sld [smem:$0x3FB5]  }
0x39: {  	_ = 	snop;
	(pc) =	sbr.ind lr, $3  }
0x3a: {  	_ = 	snop  }
0x3b: {  	_ = 	snop  }
0x3c: {  	p2 =	seq.s32 s10, $0x1;
	s10 =	sld [smem:$0x3FB4]  }
0x3d: {  	_ =	shalt  }
0x3e: {  	_ =	shalt  }
0x3f: {  	_ =	shalt  }
0x40: {  	_ =	shalt  }
0x41: {  	_ =	shalt  }
0x42: {  	_ =	shalt  }
0x43: {  	_ =	shalt  }
0x44: {  	_ =	shalt  }
0x45: {  	_ =	shalt  }
0x46: {  	_ =	shalt  }
0x47: {  	_ =	shalt  }
0x48: {  	_ =	shalt  }
0x49: {  	_ =	shalt  }
0x4a: {  	_ =	shalt  }
0x4b: {  	_ =	shalt  }
0x4c: {  	_ =	shalt  }
0x4d: {  	_ =	shalt  }
0x4e: {  	_ =	shalt  }
0x4f: {  	_ =	shalt  }
0x50: {  	_ =	shalt  }
0x51: {  	_ =	shalt  }
0x52: {  	_ =	shalt  }
0x53: {  	_ =	shalt  }
0x54: {  	_ =	shalt  }
0x55: {  	_ =	shalt  }
0x56: {  	_ =	shalt  }
0x57: {  	_ =	shalt  }
0x58: {  	_ =	shalt  }
0x59: {  	_ =	shalt  }
0x5a: {  	_ =	shalt  }
0x5b: {  	_ =	shalt  }
0x5c: {  	_ =	shalt  }
0x5d: {  	_ =	shalt  }
0x5e: {  	_ =	shalt  }
0x5f: {  	_ =	shalt  }
0x60: {  	_ =	shalt  }
0x61: {  	_ =	shalt  }
0x62: {  	_ =	shalt  }
0x63: {  	_ =	shalt  }
0x64: {  	_ =	shalt  }
0x65: {  	_ =	shalt  }
0x66: {  	_ =	shalt  }
0x67: {  	_ =	shalt  }
0x68: {  	_ =	shalt  }
0x69: {  	_ =	shalt  }
0x6a: {  	_ =	shalt  }
0x6b: {  	_ =	shalt  }
0x6c: {  	_ =	shalt  }
0x6d: {  	_ =	shalt  }
0x6e: {  	_ =	shalt  }
0x6f: {  	_ =	shalt  }
0x70: {  	_ =	shalt  }
0x71: {  	_ =	shalt  }
0x72: {  	_ =	shalt  }
0x73: {  	_ =	shalt  }
0x74: {  	_ =	shalt  }
0x75: {  	_ =	shalt  }
0x76: {  	_ =	shalt  }
0x77: {  	_ =	shalt  }
0x78: {  	_ =	shalt  }
0x79: {  	_ =	shalt  }
0x7a: {  	_ =	shalt  }
0x7b: {  	_ =	shalt  }
0x7c: {  	_ =	shalt  }
0x7d: {  	_ =	shalt  }
0x7e: {  	_ =	shalt  }
0x7f: {  	_ =	shalt  }
0x80: {  	_ =	shalt  }
0x81: {  	_ =	shalt  }
0x82: {  	_ =	shalt  }
0x83: {  	_ =	shalt  }
0x84: {  	_ =	shalt  }
0x85: {  	_ =	shalt  }
0x86: {  	_ =	shalt  }
0x87: {  	_ =	shalt  }
.Lfunc_end0:
.L_simem_size_0:
called_computation.1_lowered:
.L_overlay_start_0:
0x88: {  	s2 =	sld [smem:$0x3FD9]  }
0x89: {  	s3 =	sld [smem:$0x3FFE];
	_ =	sdelay $0x1  }
0x8a: {  	s1 =	srdreg.scid  }
0x8b: {  	s0 =	sand.u32 $0x1, s1  }
0x8c: {  	s17 =	sshll.u32 s0, $0xA;
	s2 =	sadd.s32 s3, s2  }
0x8d: {  	s2 =	sadd.s32 s2, s17  }
0x8e: {  	[smem:$0x3FC0] =	sst s2  }
0x8f: {  	_ = 	snop  }
0x90: {  	s2 =	sld [smem:$0x3FD0];
	(tm) =	ssettm $0x1  }
0x91: {  	s18 =	sld [smem:$0x3FFB];
	_ =	sdelay $0x3  }
0x92: {  	_ =	strace s18  }
0x93: {  	s3 =	sld [smem:$0x3FFC];
	_ =	sdelay $0x3  }
0x94: {  	_ =	strace s3  }
0x95: {  	s3 =	sld [smem:$0x3FFD];
	_ =	sdelay $0x3  }
0x96: {  	_ =	strace s3  }
0x97: {  	_ =	strace $0x8FFFFFFF  }
0x98: {  	s19 =	sld [smem:$0x3FDB];
	_ =	sdelay $0x1  }
0x99: {  	s4 =	simm.s32 $_scs_section_size  }
0x9a: {  	s5 =	simm.s32 $_size__tile_overlayer_lowered;
	s6 =	simm.s32 $_tile_overlayer_lowered  }
0x9b: {  	s22 =	simm.s32 $0x1BFF;
	s21 =	sshll.u32 s6, $0x1;
	s3 =	sadd.s32 s4, s19  }
0x9c: {  	s7 =	simm.s32 $0x0;
	s20 =	sshll.u32 s5, $0x1;
	s5 =	sadd.s32 s21, s3  }
0x9d: {  	[timem:s7], [sflag:s22] =	dma.local [hbm:s5], s20  }
0x9e: {  	_ =	swait.ge [sflag:s22], s20  }
0x9f: {  	s4 =	ssub.s32 $0x0, s20;
	[sflag:s22] =	ssyncset.done $0x0  }
0xa0: {  	[sflag:s22] =	ssyncadd.s32 s4;
	_ =	sdelay $0x1  }
0xa1: {  	s23 =	simm.s32 $0x1B8B  }
0xa2: {  	_ =	swait.ge [sflag:s23], $0x1  }
0xa3: {  	[sflag:s23] =	ssyncset.done $0x0  }
0xa4: {  	s25 =	simm.s32 $0x1B8E;
	s24 =	sld [smem:$0x3FFE];
	[sflag:s23] =	ssyncadd.s32 $0xFFFFFFFF  }
0xa5: {  	s26 =	simm.s32 $execute0_lowered;
	[smem:$0x3FD2] =	sst s25  }
0xa6: {  	s5 =	sshll.u32 s26, $0x1;
	_ =	strace $0x80000049;
	[dreg:$0x1] =	wrdreg $0xFFFFFFFF  }
0xa7: {  	s28 =	simm.s32 $_size_execute0_lowered;
	s3 =	sadd.s32 s3, s5;
	[dreg:$0x0] =	wrdreg $0x0  }
0xa8: {  	s5 =	sshll.u32 s28, $0x1;
	[dreg:$0x2] =	wrdreg s3  }
0xa9: {  	[dreg:$0x3] =	wrdreg s5  }
0xaa: {  	[dreg:$0x4] =	wrdreg $0xC0  }
0xab: {  	_ =	task [dreg:s7], $0x5FFFF  }
0xac: {  	[dreg:$0x1] =	wrdreg $0xFFFFFFFF  }
0xad: {  	[dreg:$0x0] =	wrdreg $0x60  }
0xae: {  	[dreg:$0x2] =	wrdreg s2  }
0xaf: {  	[dreg:$0x3] =	wrdreg s24  }
0xb0: {  	[dreg:$0x4] =	wrdreg $0x41000  }
0xb1: {  	[dreg:$0x5] =	wrdreg $0x9  }
0xb2: {  	_ =	task.clear_ibuf [dreg:s7], $0x6FFFF;
	_ =	strace $0x90000049  }
0xb3: {  	s29 =	simm.s32 $0x9;
	_ =	strace $0x8000004B  }
0xb4: {  	_ =	swait.ge [sflag:s29], $0x1  }
0xb5: {  	[sflag:s29] =	ssyncadd.s32 $0xFFFFFFFF  }
0xb6: {  	_ =	strace $0x9000004B  }
0xb7: {  	_ =	sfence  }
0xb8: {  	s30 =	sld [smem:$0x0];
	_ =	sdelay $0x2  }
0xb9: {  	s31 =	sshll.u32 s1, $0xD;
	s1 =	sshrl.u32 s1, $0x2  }
0xba: {  	s3 =	sand.u32 $0x4000, s31;
	s1 =	sadd.s32 s1, s30  }
0xbb: {  	s0 =	sor.u32 s3, s0;
	s1 =	sshll.u32 s1, $0x11  }
0xbc: {  	s0 =	sor.u32 s1, s0  }
0xbd: {  	s0 =	sadd.s32 $0x8F2B, s0  }
0xbe: {  	[sflag:s0] =	ssyncadd.remote.s32 $0x1  }
0xbf: {  	_ =	sfence.sel $0xFFFF  }
0xc0: {  	[dreg:$0x0] =	wrdreg $0xFFFFFFFF;
	(pc) =	sbr.abs _section_cstart, $3  }
0xc1: {  	[dreg:$0x1] =	wrdreg $0xFFFFFFFF  }
0xc2: {  	_ =	task.clear_ibuf [dreg:s7], $0x2FFFF;
	_ =	strace $0x9FFFFFFF  }
0xc3: {  	(tm) =	ssettm $0x7FFFFFFF  }
tec
execute0_lowered:
.L_overlay_start_1:
0x0: {  	(tag) =	ssettag $0x1  }
0x1: {  	s2 =	rddreg [dreg:$0x0]  }
0x2: {  	s5 =	rddreg [dreg:$0x1]  }
0x3: {  	s3 =	rddreg [dreg:$0x2];
	s1 =	stileid.u32  }
0x4: {  	s0 =	rddreg [dreg:$0x3];
	s7 =	smul.u32 $0x3D, s1  }
0x5: {  	s6 =	srdreg.scid;
	s4 =	simm.s32 $0x0;
	s8 =	smul.u32 $0x61, s1  }
0x6: {  	s13 =	simm.s32 $0x2;
	s6 =	sand.u32 $0x1, s6;
	s26 =	smul.u32 $0x2780, s1  }
0x7: {  	[smem:$0x7FF] =	sst s4;
	s28 =	smul.u32 $0x4F000, s1;
	s31 =	sshll.u32 s1, $0x6  }
0x8: {  	p0 =	seq.s32 s6, $0x0;
	_ =	strace $0x8000004A;
	s9 =	smul.u32 $0x27800, s6  }
0x9: {  	s6 =	ssub.s32 $0x2, s6;
	s7 =	sadd.s32 $0x610, s7;
	s10 =	sadd.s32 s26, s5  }
0xa: {  	s29 =	sshrl.u32 s6, $0x1;
	s30 =	sshrl.u32 s28, $0x2;
	s7 =	smov.u32 @p0 s8  }
0xb: {  	s8 =	sadd.s32 s26, s9;
	s9 =	ssub.s32 s6, s29;
	s12 =	sadd.s32 s30, s3  }
0xc: {  	s6 =	sadd.s32 $0xE600, s10;
	s7 =	sshll.u32 s7, $0x4;
	s8 =	sadd.s32 s8, s5  }
0xd: {  	s9 =	smax.u32 s9, $0x1;
	s12 =	sshrl.u32 s12, $0x3;
	s11 =	sadd.s32 s7, s5  }
0xe: {  	s5 =	simm.s32 $0x61;
	s7 =	sor.u32 $0x1C02, s31;
	s8 =	sadd.s32 $0x8EC00, s8  }
0xf: {  	s5 =	simm.s32 @!p0 $0x3D;
	s10 =	sadd.s32 $0x4800, s11;
	s11 =	sadd.s32 $0x84E00, s11  }
.LBB2_1:
0x10: {  	[spmem:s12], [sflag:s7] =	dma.local [hbm:s6], $0x2780  }
0x11: {  	_ =	swait.ge [sflag:s13], $0x2780  }
0x12: {  	[sflag:s13] =	ssyncset.done $0x0  }
0x13: {  	p0 =	sle.u32 s5, $0x0;
	[sflag:s13] =	ssyncadd.s32 $0xFFFFD880  }
0x14: {  	s14 =	simm.s32 @!p0 $0x0;
	s15 =	simm.s32 @!p0 $0x3;
	[bflag:$0x0] =	sbarrier.arrive $0xFFFF  }
0x15: {  	[tilespmem:s14], [sflag:$0x3] =	stream.linear.gather @!p0 [hbm4b:s11+s14], $0x80, $0x38;
	[tilespmem:$0x17D00] =	vst v63  }
0x16: {  	_ =	swait.ge @!p0 [sflag:s15], $0x80  }
0x17: {  	[sflag:s15] =	ssyncset.done @!p0 $0x0;
	p0 =	por p0, p0  }
0x18: {  	[sflag:s15] =	ssyncadd.s32 @!p0 $0xFFFFFF80;
	s16 =	simm.s32 @!p0 $0x80  }
0x19: {  	[tilespmem:s16], [sflag:$0x3] =	stream.linear.gather @!p0 [hbm4b:s10+s14], $0x80, $0x38;
	[tilespmem:$0x17D00] =	vst v63  }
0x1a: {  	_ =	swait.ge @!p0 [sflag:s15], $0x80  }
0x1b: {  	[sflag:s15] =	ssyncset.done @!p0 $0x0  }
0x1c: {  	s17 =	simm.s32 @!p0 $0x1;
	[sflag:s15] =	ssyncadd.s32 @!p0 $0xFFFFFF80;
	s15 =	simm.s32 @!p0 $0x100  }
0x1d: {  	[tilespmem:s15], [sflag:$0x1] =	stream.indirect.gather @!p0 [hbm4b:s2+s16], $0x80, s14, s16, $0xb8;
	[tilespmem:$0x17D00] =	vst v63  }
0x1e: {  	_ =	swait.ge @!p0 [sflag:s17], $0x4000  }
0x1f: {  	[sflag:s17] =	ssyncset.done @!p0 $0x0  }
0x20: {  	[sflag:s17] =	ssyncadd.s32 @!p0 $0xFFFFC000;
	s17 =	simm.s32 @!p0 $0x2  }
0x21: {  	[spmem:s3] =	stream.indirect.scatter.add.f32 @!p0 [tilespmem:s15], [sflag:$0x2], $0x80, s16, s16, $0xb8;
	[tilespmem:$0x17D00] =	vst v63  }
0x22: {  	p2 =	sle.u32 s5, $0x1;
	s14 =	sadd.s32 $0x10, s10;
	_ =	swait.ge @!p0 [sflag:s17], $0x4000  }
0x23: {  	s16 =	simm.s32 $0x2;
	s15 =	sadd.s32 $0x10, s11;
	[sflag:s17] =	ssyncset.done @!p0 $0x0  }
.LBB2_2:
0x24: {  	s18 =	simm.s32 @!p2 $0x0;
	s19 =	simm.s32 @!p2 $0x3;
	[sflag:s17] =	ssyncadd.s32 @!p0 $0xFFFFC000  }
0x25: {  	[tilespmem:s18], [sflag:$0x3] =	stream.linear.gather @!p2 [hbm4b:s15+s18], $0x80, $0x38;
	[tilespmem:$0x17D00] =	vst v63  }
0x26: {  	s20 =	smov.u32 s16;
	s16 =	sadd.s32 $0x1, s16;
	_ =	swait.ge @!p2 [sflag:s19], $0x80  }
0x27: {  	p0 =	por p2, p2;
	p1 =	sne.s32 s16, $0x61;
	[sflag:s19] =	ssyncset.done @!p2 $0x0  }
0x28: {  	s21 =	simm.s32 @!p0 $0x80;
	[sflag:s19] =	ssyncadd.s32 @!p0 $0xFFFFFF80  }
0x29: {  	[tilespmem:s21], [sflag:$0x3] =	stream.linear.gather @!p0 [hbm4b:s14+s18], $0x80, $0x38;
	[tilespmem:$0x17D00] =	vst v63  }
0x2a: {  	_ =	swait.ge @!p0 [sflag:s19], $0x80  }
0x2b: {  	[sflag:s19] =	ssyncset.done @!p0 $0x0  }
0x2c: {  	s17 =	simm.s32 @!p0 $0x1;
	[sflag:s19] =	ssyncadd.s32 @!p0 $0xFFFFFF80;
	s19 =	simm.s32 @!p0 $0x100  }
0x2d: {  	[tilespmem:s19], [sflag:$0x1] =	stream.indirect.gather @!p0 [hbm4b:s2+s21], $0x80, s18, s21, $0xb8;
	[tilespmem:$0x17D00] =	vst v63  }
0x2e: {  	_ =	swait.ge @!p0 [sflag:s17], $0x4000  }
.Ltmp0:
0x2f: {  	[sflag:s17] =	ssyncset.done @!p0 $0x0;
	(pc) =	sbr.rel @p1 .LBB2_2-.Ltmp0, $4  }
0x30: {  	[sflag:s17] =	ssyncadd.s32 @!p0 $0xFFFFC000;
	s17 =	simm.s32 @!p0 $0x2  }
0x31: {  	[spmem:s3] =	stream.indirect.scatter.add.f32 @!p0 [tilespmem:s19], [sflag:$0x2], $0x80, s21, s21, $0xb8;
	[tilespmem:$0x17D00] =	vst v63  }
0x32: {  	s15 =	sadd.s32 $0x10, s15;
	_ =	swait.ge @!p0 [sflag:s17], $0x4000  }
0x33: {  	p2 =	sge.u32 s20, s5;
	s14 =	sadd.s32 $0x10, s14;
	[sflag:s17] =	ssyncset.done @!p0 $0x0  }
0x34: {  	s16 =	simm.s32 @!p2 $0x0;
	s18 =	simm.s32 @!p2 $0x3;
	[sflag:s17] =	ssyncadd.s32 @!p0 $0xFFFFC000  }
0x35: {  	[tilespmem:s16], [sflag:$0x3] =	stream.linear.gather @!p2 [hbm4b:s15+s16], $0x80, $0x38;
	[tilespmem:$0x17D00] =	vst v63  }
0x36: {  	_ =	swait.ge @!p2 [sflag:s18], $0x80  }
0x37: {  	p0 =	por p2, p2;
	[sflag:s18] =	ssyncset.done @!p2 $0x0  }
0x38: {  	s15 =	simm.s32 @!p0 $0x80;
	[sflag:s18] =	ssyncadd.s32 @!p0 $0xFFFFFF80  }
0x39: {  	[tilespmem:s15], [sflag:$0x3] =	stream.linear.gather @!p0 [hbm4b:s14+s16], $0x80, $0x38;
	[tilespmem:$0x17D00] =	vst v63  }
0x3a: {  	_ =	swait.ge @!p0 [sflag:s18], $0x80  }
0x3b: {  	[sflag:s18] =	ssyncset.done @!p0 $0x0  }
0x3c: {  	s17 =	simm.s32 @!p0 $0x1;
	s14 =	simm.s32 @!p0 $0x100;
	[sflag:s18] =	ssyncadd.s32 @!p0 $0xFFFFFF80  }
0x3d: {  	[tilespmem:s14], [sflag:$0x1] =	stream.indirect.gather @!p0 [hbm4b:s2+s15], $0x80, s16, s15, $0xb8;
	[tilespmem:$0x17D00] =	vst v63  }
0x3e: {  	_ =	swait.ge @!p0 [sflag:s17], $0x4000  }
0x3f: {  	[sflag:s17] =	ssyncset.done @!p0 $0x0  }
0x40: {  	s16 =	simm.s32 @!p0 $0x2;
	[sflag:s17] =	ssyncadd.s32 @!p0 $0xFFFFC000  }
0x41: {  	[spmem:s3] =	stream.indirect.scatter.add.f32 @!p0 [tilespmem:s14], [sflag:$0x2], $0x80, s15, s15, $0xb8;
	[tilespmem:$0x17D00] =	vst v63  }
0x42: {  	_ =	swait.ge @!p0 [sflag:s16], $0x4000  }
0x43: {  	s4 =	sadd.s32 $0x1, s4;
	[sflag:s16] =	ssyncset.done @!p0 $0x0  }
0x44: {  	[sflag:s16] =	ssyncadd.s32 @!p0 $0xFFFFC000;
	p0 =	sne.s32 s4, s9  }
.Ltmp1:
0x45: {  	[bflag:$0x0] =	sbarrier.arrive $0xFFFF;
	(pc) =	sbr.rel @p0 .LBB2_1-.Ltmp1, $4  }
0x46: {  	[hbm:s8], [sflag:s7] =	dma.local [spmem:s12], $0x2780  }
0x47: {  	_ =	swait.ge [sflag:s13], $0x2780  }
0x48: {  	[sflag:s13] =	ssyncset.done $0x0  }
0x49: {  	[sflag:s13] =	ssyncadd.s32 $0xFFFFD880  }
0x4a: {  	_ =	sfence.sel $0x180000  }
0x4b: {  	[bflag:$0x0] =	sbarrier.arrive $0xFFFF  }
0x4c: {  	p0 =	sne.s32 s1, $0x0;
	_ =	strace $0x9000004A  }
0x4d: {  	s0 =	sadd.s32 @!p0 $0x100000, s0;
	[bflag:$0x2] =	sbarrier.arrive $0xFFFF  }
0x4e: {  	[sflag:s0] =	ssyncadd.tile.s32 @!p0 $0x1;
	_ =	shalt  }
.Lfunc_end2:
_tile_overlayer_lowered:
.L_overlay_start_2:
0x4f: {  	(tag) =	ssettag $0x2  }
0x50: {  	s0 =	rddreg [dreg:$0x0];
	s2 =	stileid.u32  }
0x51: {  	s1 =	rddreg [dreg:$0x1];
	p0 =	sne.s32 s2, $0x0  }
0x52: {  	s3 =	rddreg [dreg:$0x2];
	[bflag:$0x3] =	sbarrier.arrive $0xFFFF;
	s2 =	simm.s32 @!p0 $0x1C02  }
0x53: {  	[timem:s3], [sflag:s2] =	dma.local @!p0 [hbm:s0], s1  }
0x54: {  	s0 =	simm.s32 @!p0 $0x2  }
0x55: {  	_ =	swait.ge @!p0 [sflag:s0], s1  }
0x56: {  	s1 =	ssub.s32 @!p0 $0x0, s1;
	[sflag:s0] =	ssyncset.done @!p0 $0x0  }
0x57: {  	[sflag:s0] =	ssyncadd.s32 @!p0 s1  }
0x58: {  	[bflag:$0x3] =	sbarrier.arrive $0xFFFF  }
0x59: {  	_ =	shalt  }

// kernel: kernel.16.cloned.1.call-start
scs
__scs_entry_jumppad:
0x0: {  	(pc) =	sbr.rel $0x88, $3  }
0x1: {  	(tag) =	ssettag $0x0;
	lr =	simm.s32 $0x1  }
0x2: {  	[smem:$0x3F99] =	sst lr;
	_ =	strace $0xD0000000  }
0x3: {  	_ = 	snop  }
0x4: {  	_ = 	snop  }
0x5: {  	_ = 	snop  }
0x6: {  	_ = 	snop  }
0x7: {  	_ = 	snop  }
__scs_overlays_trampoline_lowered:
0x8: {  	[smem:$0x3FA8] =	sst s0  }
0x9: {  	[smem:$0x3FA9] =	sst s1  }
0xa: {  	[smem:$0x3FAA] =	sst s2  }
0xb: {  	[smem:$0x3FAB] =	sst s3  }
0xc: {  	[smem:$0x3FAC] =	sst s4  }
0xd: {  	[smem:$0x3FAD] =	sst s5  }
0xe: {  	[smem:$0x3FAE] =	sst s6  }
0xf: {  	[smem:$0x3FAF] =	sst s7  }
0x10: {  	[smem:$0x3FB0] =	sst s8  }
0x11: {  	[smem:$0x3FB1] =	sst s9;
	s0 =	simm.s32 @!p0 $0x0  }
0x12: {  	s1 =	sld [smem:$0x3F97];
	s0 =	simm.s32 @p0 $0x1  }
0x13: {  	[smem:$0x3FB2] =	sst s0;
	s0 =	simm.s32 @!p1 $0x0  }
0x14: {  	s2 =	sld [smem:$0x3F96];
	s0 =	simm.s32 @p1 $0x1  }
0x15: {  	[smem:$0x3FB3] =	sst s0;
	s0 =	simm.s32 @!p2 $0x0  }
0x16: {  	s3 =	sld [smem:$0x3FDB];
	s0 =	simm.s32 @p2 $0x1  }
0x17: {  	s4 =	simm.s32 $0x1BF5;
	[smem:$0x3FB5] =	sst s0  }
0x18: {  	s0 =	sld [smem:$0x3F98];
	_ =	swait.ge [sflag:s4], $0x0  }
0x19: {  	s7 =	sld [smem:$0x3F99]  }
0x1a: {  	s8 =	sadd.s32 $0xFFFFE003, lr  }
0x1b: {  	s9 =	sadd.s32 $0xFFFFFEF7, lr;
	s5 =	simm.s32 $0xFFFFFFFF;
	p2 =	slt.u32 s8, $0xFFFFF086  }
0x1c: {  	p1 =	slt.u32 s9, $0xF7A;
	s5 =	simm.s32 @!p2 $0x0  }
0x1d: {  	s5 =	simm.s32 @p1 $0x1;
	p0 =	seq.s32 s7, s2  }
0x1e: {  	s7 =	smul.u32 @!p0 $0xF7A, s2;
	p2 =	seq.s32 @!p0 s5, $0x0  }
0x1f: {  	s9 =	smul.u32 $0xF7A, s1;
	s8 =	simm.s32 @!p0 $0x1BF5;
	p2 =	por !p2, p0  }
0x20: {  	[sflag:s8] =	ssyncset.s32 @!p0 $0xFFFFF086;
	s6 =	sadd.s32 @!p0 s3, s7;
	s7 =	simm.s32 @!p0 $0x108  }
0x21: {  	s3 =	sadd.s32 s3, s9;
	s6 =	sadd.s32 @!p0 $0x88, s6;
	s7 =	simm.s32 @p2 $0x1082  }
0x22: {  	[simem:s7], [sflag:s8] =	dma.local @!p0 [hbm:s6], $0xF7A  }
0x23: {  	s9 =	sor.u32 $0xD0000000, s2;
	s6 =	simm.s32 $0x108;
	_ =	swait.ge @!p0 [sflag:s8], $0x0  }
0x24: {  	s3 =	sadd.s32 $0x88, s3;
	s6 =	simm.s32 @!p1 $0x1082;
	[sflag:s4] =	ssyncset.s32 $0xFFFFF086  }
0x25: {  	[simem:s6], [sflag:s4] =	dma.local [hbm:s3], $0xF7A  }
0x26: {  	[smem:$0x3F99] =	sst s1;
	(tag) =	ssettag s2;
	_ =	strace s9  }
0x27: {  	s1 =	sld [smem:$0x3FA9]  }
0x28: {  	s2 =	sld [smem:$0x3FAA]  }
0x29: {  	s4 =	sld [smem:$0x3FAC]  }
0x2a: {  	p0 =	seq.s32 s5, $0x0;
	s5 =	sld [smem:$0x3FAD]  }
0x2b: {  	s6 =	sld [smem:$0x3FAE]  }
0x2c: {  	s7 =	sld [smem:$0x3FAF]  }
0x2d: {  	s3 =	simm.s32 $0x108;
	s8 =	sld [smem:$0x3FB0]  }
0x2e: {  	s3 =	simm.s32 @!p0 $0x1082;
	s9 =	sld [smem:$0x3FB1]  }
0x2f: {  	lr =	sadd.s32 s0, s3;
	s0 =	sld [smem:$0x3FA8]  }
0x30: {  	s3 =	sld [smem:$0x3FAB]  }
0x31: {  	[smem:$0x3FB4] =	sst s10  }
0x32: {  	s10 =	sld [smem:$0x3FB2];
	_ =	sdelay $0x3  }
0x33: {  	p0 =	seq.s32 s10, $0x1;
	s10 =	sld [smem:$0x3FB4];
	_ =	sdelay $0x3  }
0x34: {  	[smem:$0x3FB4] =	sst s10  }
0x35: {  	s10 =	sld [smem:$0x3FB3];
	_ =	sdelay $0x3  }
0x36: {  	p1 =	seq.s32 s10, $0x1;
	s10 =	sld [smem:$0x3FB4];
	_ =	sdelay $0x3  }
0x37: {  	[smem:$0x3FB4] =	sst s10  }
0x38: {  	s10 =	sld [smem:$0x3FB5]  }
0x39: {  	_ = 	snop;
	(pc) =	sbr.ind lr, $3  }
0x3a: {  	_ = 	snop  }
0x3b: {  	_ = 	snop  }
0x3c: {  	p2 =	seq.s32 s10, $0x1;
	s10 =	sld [smem:$0x3FB4]  }
0x3d: {  	_ =	shalt  }
0x3e: {  	_ =	shalt  }
0x3f: {  	_ =	shalt  }
0x40: {  	_ =	shalt  }
0x41: {  	_ =	shalt  }
0x42: {  	_ =	shalt  }
0x43: {  	_ =	shalt  }
0x44: {  	_ =	shalt  }
0x45: {  	_ =	shalt  }
0x46: {  	_ =	shalt  }
0x47: {  	_ =	shalt  }
0x48: {  	_ =	shalt  }
0x49: {  	_ =	shalt  }
0x4a: {  	_ =	shalt  }
0x4b: {  	_ =	shalt  }
0x4c: {  	_ =	shalt  }
0x4d: {  	_ =	shalt  }
0x4e: {  	_ =	shalt  }
0x4f: {  	_ =	shalt  }
0x50: {  	_ =	shalt  }
0x51: {  	_ =	shalt  }
0x52: {  	_ =	shalt  }
0x53: {  	_ =	shalt  }
0x54: {  	_ =	shalt  }
0x55: {  	_ =	shalt  }
0x56: {  	_ =	shalt  }
0x57: {  	_ =	shalt  }
0x58: {  	_ =	shalt  }
0x59: {  	_ =	shalt  }
0x5a: {  	_ =	shalt  }
0x5b: {  	_ =	shalt  }
0x5c: {  	_ =	shalt  }
0x5d: {  	_ =	shalt  }
0x5e: {  	_ =	shalt  }
0x5f: {  	_ =	shalt  }
0x60: {  	_ =	shalt  }
0x61: {  	_ =	shalt  }
0x62: {  	_ =	shalt  }
0x63: {  	_ =	shalt  }
0x64: {  	_ =	shalt  }
0x65: {  	_ =	shalt  }
0x66: {  	_ =	shalt  }
0x67: {  	_ =	shalt  }
0x68: {  	_ =	shalt  }
0x69: {  	_ =	shalt  }
0x6a: {  	_ =	shalt  }
0x6b: {  	_ =	shalt  }
0x6c: {  	_ =	shalt  }
0x6d: {  	_ =	shalt  }
0x6e: {  	_ =	shalt  }
0x6f: {  	_ =	shalt  }
0x70: {  	_ =	shalt  }
0x71: {  	_ =	shalt  }
0x72: {  	_ =	shalt  }
0x73: {  	_ =	shalt  }
0x74: {  	_ =	shalt  }
0x75: {  	_ =	shalt  }
0x76: {  	_ =	shalt  }
0x77: {  	_ =	shalt  }
0x78: {  	_ =	shalt  }
0x79: {  	_ =	shalt  }
0x7a: {  	_ =	shalt  }
0x7b: {  	_ =	shalt  }
0x7c: {  	_ =	shalt  }
0x7d: {  	_ =	shalt  }
0x7e: {  	_ =	shalt  }
0x7f: {  	_ =	shalt  }
0x80: {  	_ =	shalt  }
0x81: {  	_ =	shalt  }
0x82: {  	_ =	shalt  }
0x83: {  	_ =	shalt  }
0x84: {  	_ =	shalt  }
0x85: {  	_ =	shalt  }
0x86: {  	_ =	shalt  }
0x87: {  	_ =	shalt  }
.Lfunc_end0:
.L_simem_size_0:
called_computation.2_lowered:
.L_overlay_start_0:
0x88: {  	s2 =	sld [smem:$0x3FD9]  }
0x89: {  	s3 =	sld [smem:$0x3FFE];
	_ =	sdelay $0x1  }
0x8a: {  	s1 =	srdreg.scid  }
0x8b: {  	s0 =	sand.u32 $0x1, s1  }
0x8c: {  	s17 =	sshll.u32 s0, $0xA;
	s2 =	sadd.s32 s3, s2  }
0x8d: {  	s2 =	sadd.s32 s2, s17  }
0x8e: {  	[smem:$0x3FC0] =	sst s2  }
0x8f: {  	_ = 	snop  }
0x90: {  	s2 =	sld [smem:$0x3FD0];
	(tm) =	ssettm $0x1  }
0x91: {  	s18 =	sld [smem:$0x3FFB];
	_ =	sdelay $0x3  }
0x92: {  	_ =	strace s18  }
0x93: {  	s3 =	sld [smem:$0x3FFC];
	_ =	sdelay $0x3  }
0x94: {  	_ =	strace s3  }
0x95: {  	s3 =	sld [smem:$0x3FFD];
	_ =	sdelay $0x3  }
0x96: {  	_ =	strace s3  }
0x97: {  	_ =	strace $0x8FFFFFFF  }
0x98: {  	s19 =	sld [smem:$0x3FDB];
	_ =	sdelay $0x1  }
0x99: {  	s4 =	simm.s32 $_scs_section_size  }
0x9a: {  	s5 =	simm.s32 $_size__tile_overlayer_lowered;
	s6 =	simm.s32 $_tile_overlayer_lowered  }
0x9b: {  	s22 =	simm.s32 $0x1BFF;
	s21 =	sshll.u32 s6, $0x1;
	s3 =	sadd.s32 s4, s19  }
0x9c: {  	s7 =	simm.s32 $0x0;
	s20 =	sshll.u32 s5, $0x1;
	s5 =	sadd.s32 s21, s3  }
0x9d: {  	[timem:s7], [sflag:s22] =	dma.local [hbm:s5], s20  }
0x9e: {  	_ =	swait.ge [sflag:s22], s20  }
0x9f: {  	s4 =	ssub.s32 $0x0, s20;
	[sflag:s22] =	ssyncset.done $0x0  }
0xa0: {  	[sflag:s22] =	ssyncadd.s32 s4;
	_ =	sdelay $0x1  }
0xa1: {  	s23 =	simm.s32 $0x1B8B  }
0xa2: {  	_ =	swait.ge [sflag:s23], $0x1  }
0xa3: {  	[sflag:s23] =	ssyncset.done $0x0  }
0xa4: {  	s25 =	simm.s32 $0x1B8E;
	s24 =	sld [smem:$0x3FFE];
	[sflag:s23] =	ssyncadd.s32 $0xFFFFFFFF  }
0xa5: {  	s26 =	simm.s32 $execute0_lowered;
	[smem:$0x3FD2] =	sst s25  }
0xa6: {  	s5 =	sshll.u32 s26, $0x1;
	_ =	strace $0x8000004C;
	[dreg:$0x1] =	wrdreg $0xFFFFFFFF  }
0xa7: {  	s28 =	simm.s32 $_size_execute0_lowered;
	s3 =	sadd.s32 s3, s5;
	[dreg:$0x0] =	wrdreg $0x0  }
0xa8: {  	s5 =	sshll.u32 s28, $0x1;
	[dreg:$0x2] =	wrdreg s3  }
0xa9: {  	[dreg:$0x3] =	wrdreg s5  }
0xaa: {  	[dreg:$0x4] =	wrdreg $0xC0  }
0xab: {  	_ =	task [dreg:s7], $0x5FFFF  }
0xac: {  	[dreg:$0x1] =	wrdreg $0xFFFFFFFF  }
0xad: {  	[dreg:$0x0] =	wrdreg $0x60  }
0xae: {  	[dreg:$0x2] =	wrdreg s2  }
0xaf: {  	[dreg:$0x3] =	wrdreg s24  }
0xb0: {  	[dreg:$0x4] =	wrdreg $0x41000  }
0xb1: {  	[dreg:$0x5] =	wrdreg $0x9  }
0xb2: {  	_ =	task.clear_ibuf [dreg:s7], $0x6FFFF;
	_ =	strace $0x9000004C  }
0xb3: {  	s29 =	simm.s32 $0x9;
	_ =	strace $0x8000004E  }
0xb4: {  	_ =	swait.ge [sflag:s29], $0x1  }
0xb5: {  	[sflag:s29] =	ssyncadd.s32 $0xFFFFFFFF  }
0xb6: {  	_ =	strace $0x9000004E  }
0xb7: {  	_ =	sfence  }
0xb8: {  	s30 =	sld [smem:$0x0];
	_ =	sdelay $0x2  }
0xb9: {  	s31 =	sshll.u32 s1, $0xD;
	s1 =	sshrl.u32 s1, $0x2  }
0xba: {  	s3 =	sand.u32 $0x4000, s31;
	s1 =	sadd.s32 s1, s30  }
0xbb: {  	s0 =	sor.u32 s3, s0;
	s1 =	sshll.u32 s1, $0x11  }
0xbc: {  	s0 =	sor.u32 s1, s0  }
0xbd: {  	s0 =	sadd.s32 $0x8F2B, s0  }
0xbe: {  	[sflag:s0] =	ssyncadd.remote.s32 $0x1  }
0xbf: {  	_ =	sfence.sel $0xFFFF  }
0xc0: {  	[dreg:$0x0] =	wrdreg $0xFFFFFFFF;
	(pc) =	sbr.abs _section_cstart, $3  }
0xc1: {  	[dreg:$0x1] =	wrdreg $0xFFFFFFFF  }
0xc2: {  	_ =	task.clear_ibuf [dreg:s7], $0x2FFFF;
	_ =	strace $0x9FFFFFFF  }
0xc3: {  	(tm) =	ssettm $0x7FFFFFFF  }
tec
execute0_lowered:
.L_overlay_start_1:
0x0: {  	(tag) =	ssettag $0x1  }
0x1: {  	s2 =	rddreg [dreg:$0x0]  }
0x2: {  	s5 =	rddreg [dreg:$0x1]  }
0x3: {  	s3 =	rddreg [dreg:$0x2];
	s1 =	stileid.u32  }
0x4: {  	s0 =	rddreg [dreg:$0x3];
	s7 =	smul.u32 $0x3D, s1  }
0x5: {  	s6 =	srdreg.scid;
	s4 =	simm.s32 $0x0;
	s8 =	smul.u32 $0x61, s1  }
0x6: {  	s13 =	simm.s32 $0x2;
	s6 =	sand.u32 $0x1, s6;
	s26 =	smul.u32 $0x2780, s1  }
0x7: {  	[smem:$0x7FF] =	sst s4;
	s28 =	smul.u32 $0x4F000, s1;
	s31 =	sshll.u32 s1, $0x6  }
0x8: {  	p0 =	seq.s32 s6, $0x0;
	_ =	strace $0x8000004D;
	s9 =	smul.u32 $0x27800, s6  }
0x9: {  	s6 =	ssub.s32 $0x2, s6;
	s7 =	sadd.s32 $0x610, s7;
	s10 =	sadd.s32 s26, s5  }
0xa: {  	s29 =	sshrl.u32 s6, $0x1;
	s30 =	sshrl.u32 s28, $0x2;
	s7 =	smov.u32 @p0 s8  }
0xb: {  	s8 =	sadd.s32 s26, s9;
	s9 =	ssub.s32 s6, s29;
	s12 =	sadd.s32 s30, s3  }
0xc: {  	s6 =	sadd.s32 $0xE600, s10;
	s7 =	sshll.u32 s7, $0x4;
	s8 =	sadd.s32 s8, s5  }
0xd: {  	s9 =	smax.u32 s9, $0x1;
	s12 =	sshrl.u32 s12, $0x3;
	s11 =	sadd.s32 s7, s5  }
0xe: {  	s5 =	simm.s32 $0x61;
	s7 =	sor.u32 $0x1C02, s31;
	s8 =	sadd.s32 $0x8EC00, s8  }
0xf: {  	s5 =	simm.s32 @!p0 $0x3D;
	s10 =	sadd.s32 $0x4800, s11;
	s11 =	sadd.s32 $0x84E00, s11  }
.LBB2_1:
0x10: {  	[spmem:s12], [sflag:s7] =	dma.local [hbm:s6], $0x2780  }
0x11: {  	_ =	swait.ge [sflag:s13], $0x2780  }
0x12: {  	[sflag:s13] =	ssyncset.done $0x0  }
0x13: {  	p0 =	sle.u32 s5, $0x0;
	[sflag:s13] =	ssyncadd.s32 $0xFFFFD880  }
0x14: {  	s14 =	simm.s32 @!p0 $0x0;
	s15 =	simm.s32 @!p0 $0x3;
	[bflag:$0x0] =	sbarrier.arrive $0xFFFF  }
0x15: {  	[tilespmem:s14], [sflag:$0x3] =	stream.linear.gather @!p0 [hbm4b:s11+s14], $0x80, $0x38;
	[tilespmem:$0x17D00] =	vst v63  }
0x16: {  	_ =	swait.ge @!p0 [sflag:s15], $0x80  }
0x17: {  	[sflag:s15] =	ssyncset.done @!p0 $0x0;
	p0 =	por p0, p0  }
0x18: {  	[sflag:s15] =	ssyncadd.s32 @!p0 $0xFFFFFF80;
	s16 =	simm.s32 @!p0 $0x80  }
0x19: {  	[tilespmem:s16], [sflag:$0x3] =	stream.linear.gather @!p0 [hbm4b:s10+s14], $0x80, $0x38;
	[tilespmem:$0x17D00] =	vst v63  }
0x1a: {  	_ =	swait.ge @!p0 [sflag:s15], $0x80  }
0x1b: {  	[sflag:s15] =	ssyncset.done @!p0 $0x0  }
0x1c: {  	s17 =	simm.s32 @!p0 $0x1;
	[sflag:s15] =	ssyncadd.s32 @!p0 $0xFFFFFF80;
	s15 =	simm.s32 @!p0 $0x100  }
0x1d: {  	[tilespmem:s15], [sflag:$0x1] =	stream.indirect.gather @!p0 [hbm4b:s2+s16], $0x80, s14, s16, $0xb8;
	[tilespmem:$0x17D00] =	vst v63  }
0x1e: {  	_ =	swait.ge @!p0 [sflag:s17], $0x4000  }
0x1f: {  	[sflag:s17] =	ssyncset.done @!p0 $0x0  }
0x20: {  	[sflag:s17] =	ssyncadd.s32 @!p0 $0xFFFFC000;
	s17 =	simm.s32 @!p0 $0x2  }
0x21: {  	[spmem:s3] =	stream.indirect.scatter.add.f32 @!p0 [tilespmem:s15], [sflag:$0x2], $0x80, s16, s16, $0xb8;
	[tilespmem:$0x17D00] =	vst v63  }
0x22: {  	p2 =	sle.u32 s5, $0x1;
	s14 =	sadd.s32 $0x10, s10;
	_ =	swait.ge @!p0 [sflag:s17], $0x4000  }
0x23: {  	s16 =	simm.s32 $0x2;
	s15 =	sadd.s32 $0x10, s11;
	[sflag:s17] =	ssyncset.done @!p0 $0x0  }
.LBB2_2:
0x24: {  	s18 =	simm.s32 @!p2 $0x0;
	s19 =	simm.s32 @!p2 $0x3;
	[sflag:s17] =	ssyncadd.s32 @!p0 $0xFFFFC000  }
0x25: {  	[tilespmem:s18], [sflag:$0x3] =	stream.linear.gather @!p2 [hbm4b:s15+s18], $0x80, $0x38;
	[tilespmem:$0x17D00] =	vst v63  }
0x26: {  	s20 =	smov.u32 s16;
	s16 =	sadd.s32 $0x1, s16;
	_ =	swait.ge @!p2 [sflag:s19], $0x80  }
0x27: {  	p0 =	por p2, p2;
	p1 =	sne.s32 s16, $0x61;
	[sflag:s19] =	ssyncset.done @!p2 $0x0  }
0x28: {  	s21 =	simm.s32 @!p0 $0x80;
	[sflag:s19] =	ssyncadd.s32 @!p0 $0xFFFFFF80  }
0x29: {  	[tilespmem:s21], [sflag:$0x3] =	stream.linear.gather @!p0 [hbm4b:s14+s18], $0x80, $0x38;
	[tilespmem:$0x17D00] =	vst v63  }
0x2a: {  	_ =	swait.ge @!p0 [sflag:s19], $0x80  }
0x2b: {  	[sflag:s19] =	ssyncset.done @!p0 $0x0  }
0x2c: {  	s17 =	simm.s32 @!p0 $0x1;
	[sflag:s19] =	ssyncadd.s32 @!p0 $0xFFFFFF80;
	s19 =	simm.s32 @!p0 $0x100  }
0x2d: {  	[tilespmem:s19], [sflag:$0x1] =	stream.indirect.gather @!p0 [hbm4b:s2+s21], $0x80, s18, s21, $0xb8;
	[tilespmem:$0x17D00] =	vst v63  }
0x2e: {  	_ =	swait.ge @!p0 [sflag:s17], $0x4000  }
.Ltmp0:
0x2f: {  	[sflag:s17] =	ssyncset.done @!p0 $0x0;
	(pc) =	sbr.rel @p1 .LBB2_2-.Ltmp0, $4  }
0x30: {  	[sflag:s17] =	ssyncadd.s32 @!p0 $0xFFFFC000;
	s17 =	simm.s32 @!p0 $0x2  }
0x31: {  	[spmem:s3] =	stream.indirect.scatter.add.f32 @!p0 [tilespmem:s19], [sflag:$0x2], $0x80, s21, s21, $0xb8;
	[tilespmem:$0x17D00] =	vst v63  }
0x32: {  	s15 =	sadd.s32 $0x10, s15;
	_ =	swait.ge @!p0 [sflag:s17], $0x4000  }
0x33: {  	p2 =	sge.u32 s20, s5;
	s14 =	sadd.s32 $0x10, s14;
	[sflag:s17] =	ssyncset.done @!p0 $0x0  }
0x34: {  	s16 =	simm.s32 @!p2 $0x0;
	s18 =	simm.s32 @!p2 $0x3;
	[sflag:s17] =	ssyncadd.s32 @!p0 $0xFFFFC000  }
0x35: {  	[tilespmem:s16], [sflag:$0x3] =	stream.linear.gather @!p2 [hbm4b:s15+s16], $0x80, $0x38;
	[tilespmem:$0x17D00] =	vst v63  }
0x36: {  	_ =	swait.ge @!p2 [sflag:s18], $0x80  }
0x37: {  	p0 =	por p2, p2;
	[sflag:s18] =	ssyncset.done @!p2 $0x0  }
0x38: {  	s15 =	simm.s32 @!p0 $0x80;
	[sflag:s18] =	ssyncadd.s32 @!p0 $0xFFFFFF80  }
0x39: {  	[tilespmem:s15], [sflag:$0x3] =	stream.linear.gather @!p0 [hbm4b:s14+s16], $0x80, $0x38;
	[tilespmem:$0x17D00] =	vst v63  }
0x3a: {  	_ =	swait.ge @!p0 [sflag:s18], $0x80  }
0x3b: {  	[sflag:s18] =	ssyncset.done @!p0 $0x0  }
0x3c: {  	s17 =	simm.s32 @!p0 $0x1;
	s14 =	simm.s32 @!p0 $0x100;
	[sflag:s18] =	ssyncadd.s32 @!p0 $0xFFFFFF80  }
0x3d: {  	[tilespmem:s14], [sflag:$0x1] =	stream.indirect.gather @!p0 [hbm4b:s2+s15], $0x80, s16, s15, $0xb8;
	[tilespmem:$0x17D00] =	vst v63  }
0x3e: {  	_ =	swait.ge @!p0 [sflag:s17], $0x4000  }
0x3f: {  	[sflag:s17] =	ssyncset.done @!p0 $0x0  }
0x40: {  	s16 =	simm.s32 @!p0 $0x2;
	[sflag:s17] =	ssyncadd.s32 @!p0 $0xFFFFC000  }
0x41: {  	[spmem:s3] =	stream.indirect.scatter.add.f32 @!p0 [tilespmem:s14], [sflag:$0x2], $0x80, s15, s15, $0xb8;
	[tilespmem:$0x17D00] =	vst v63  }
0x42: {  	_ =	swait.ge @!p0 [sflag:s16], $0x4000  }
0x43: {  	s4 =	sadd.s32 $0x1, s4;
	[sflag:s16] =	ssyncset.done @!p0 $0x0  }
0x44: {  	[sflag:s16] =	ssyncadd.s32 @!p0 $0xFFFFC000;
	p0 =	sne.s32 s4, s9  }
.Ltmp1:
0x45: {  	[bflag:$0x0] =	sbarrier.arrive $0xFFFF;
	(pc) =	sbr.rel @p0 .LBB2_1-.Ltmp1, $4  }
0x46: {  	[hbm:s8], [sflag:s7] =	dma.local [spmem:s12], $0x2780  }
0x47: {  	_ =	swait.ge [sflag:s13], $0x2780  }
0x48: {  	[sflag:s13] =	ssyncset.done $0x0  }
0x49: {  	[sflag:s13] =	ssyncadd.s32 $0xFFFFD880  }
0x4a: {  	_ =	sfence.sel $0x180000  }
0x4b: {  	[bflag:$0x0] =	sbarrier.arrive $0xFFFF  }
0x4c: {  	p0 =	sne.s32 s1, $0x0;
	_ =	strace $0x9000004D  }
0x4d: {  	s0 =	sadd.s32 @!p0 $0x100000, s0;
	[bflag:$0x2] =	sbarrier.arrive $0xFFFF  }
0x4e: {  	[sflag:s0] =	ssyncadd.tile.s32 @!p0 $0x1;
	_ =	shalt  }
.Lfunc_end2:
_tile_overlayer_lowered:
.L_overlay_start_2:
0x4f: {  	(tag) =	ssettag $0x2  }
0x50: {  	s0 =	rddreg [dreg:$0x0];
	s2 =	stileid.u32  }
0x51: {  	s1 =	rddreg [dreg:$0x1];
	p0 =	sne.s32 s2, $0x0  }
0x52: {  	s3 =	rddreg [dreg:$0x2];
	[bflag:$0x3] =	sbarrier.arrive $0xFFFF;
	s2 =	simm.s32 @!p0 $0x1C02  }
0x53: {  	[timem:s3], [sflag:s2] =	dma.local @!p0 [hbm:s0], s1  }
0x54: {  	s0 =	simm.s32 @!p0 $0x2  }
0x55: {  	_ =	swait.ge @!p0 [sflag:s0], s1  }
0x56: {  	s1 =	ssub.s32 @!p0 $0x0, s1;
	[sflag:s0] =	ssyncset.done @!p0 $0x0  }
0x57: {  	[sflag:s0] =	ssyncadd.s32 @!p0 s1  }
0x58: {  	[bflag:$0x3] =	sbarrier.arrive $0xFFFF  }
0x59: {  	_ =	shalt  }

// kernel: kernel.19.cloned.1.call-start
scs
__scs_entry_jumppad:
0x0: {  	(pc) =	sbr.rel $0x88, $3  }
0x1: {  	(tag) =	ssettag $0x0;
	lr =	simm.s32 $0x1  }
0x2: {  	[smem:$0x3F99] =	sst lr;
	_ =	strace $0xD0000000  }
0x3: {  	_ = 	snop  }
0x4: {  	_ = 	snop  }
0x5: {  	_ = 	snop  }
0x6: {  	_ = 	snop  }
0x7: {  	_ = 	snop  }
__scs_overlays_trampoline_lowered:
0x8: {  	[smem:$0x3FA8] =	sst s0  }
0x9: {  	[smem:$0x3FA9] =	sst s1  }
0xa: {  	[smem:$0x3FAA] =	sst s2  }
0xb: {  	[smem:$0x3FAB] =	sst s3  }
0xc: {  	[smem:$0x3FAC] =	sst s4  }
0xd: {  	[smem:$0x3FAD] =	sst s5  }
0xe: {  	[smem:$0x3FAE] =	sst s6  }
0xf: {  	[smem:$0x3FAF] =	sst s7  }
0x10: {  	[smem:$0x3FB0] =	sst s8  }
0x11: {  	[smem:$0x3FB1] =	sst s9;
	s0 =	simm.s32 @!p0 $0x0  }
0x12: {  	s1 =	sld [smem:$0x3F97];
	s0 =	simm.s32 @p0 $0x1  }
0x13: {  	[smem:$0x3FB2] =	sst s0;
	s0 =	simm.s32 @!p1 $0x0  }
0x14: {  	s2 =	sld [smem:$0x3F96];
	s0 =	simm.s32 @p1 $0x1  }
0x15: {  	[smem:$0x3FB3] =	sst s0;
	s0 =	simm.s32 @!p2 $0x0  }
0x16: {  	s3 =	sld [smem:$0x3FDB];
	s0 =	simm.s32 @p2 $0x1  }
0x17: {  	s4 =	simm.s32 $0x1BF5;
	[smem:$0x3FB5] =	sst s0  }
0x18: {  	s0 =	sld [smem:$0x3F98];
	_ =	swait.ge [sflag:s4], $0x0  }
0x19: {  	s7 =	sld [smem:$0x3F99]  }
0x1a: {  	s8 =	sadd.s32 $0xFFFFE003, lr  }
0x1b: {  	s9 =	sadd.s32 $0xFFFFFEF7, lr;
	s5 =	simm.s32 $0xFFFFFFFF;
	p2 =	slt.u32 s8, $0xFFFFF086  }
0x1c: {  	p1 =	slt.u32 s9, $0xF7A;
	s5 =	simm.s32 @!p2 $0x0  }
0x1d: {  	s5 =	simm.s32 @p1 $0x1;
	p0 =	seq.s32 s7, s2  }
0x1e: {  	s7 =	smul.u32 @!p0 $0xF7A, s2;
	p2 =	seq.s32 @!p0 s5, $0x0  }
0x1f: {  	s9 =	smul.u32 $0xF7A, s1;
	s8 =	simm.s32 @!p0 $0x1BF5;
	p2 =	por !p2, p0  }
0x20: {  	[sflag:s8] =	ssyncset.s32 @!p0 $0xFFFFF086;
	s6 =	sadd.s32 @!p0 s3, s7;
	s7 =	simm.s32 @!p0 $0x108  }
0x21: {  	s3 =	sadd.s32 s3, s9;
	s6 =	sadd.s32 @!p0 $0x88, s6;
	s7 =	simm.s32 @p2 $0x1082  }
0x22: {  	[simem:s7], [sflag:s8] =	dma.local @!p0 [hbm:s6], $0xF7A  }
0x23: {  	s9 =	sor.u32 $0xD0000000, s2;
	s6 =	simm.s32 $0x108;
	_ =	swait.ge @!p0 [sflag:s8], $0x0  }
0x24: {  	s3 =	sadd.s32 $0x88, s3;
	s6 =	simm.s32 @!p1 $0x1082;
	[sflag:s4] =	ssyncset.s32 $0xFFFFF086  }
0x25: {  	[simem:s6], [sflag:s4] =	dma.local [hbm:s3], $0xF7A  }
0x26: {  	[smem:$0x3F99] =	sst s1;
	(tag) =	ssettag s2;
	_ =	strace s9  }
0x27: {  	s1 =	sld [smem:$0x3FA9]  }
0x28: {  	s2 =	sld [smem:$0x3FAA]  }
0x29: {  	s4 =	sld [smem:$0x3FAC]  }
0x2a: {  	p0 =	seq.s32 s5, $0x0;
	s5 =	sld [smem:$0x3FAD]  }
0x2b: {  	s6 =	sld [smem:$0x3FAE]  }
0x2c: {  	s7 =	sld [smem:$0x3FAF]  }
0x2d: {  	s3 =	simm.s32 $0x108;
	s8 =	sld [smem:$0x3FB0]  }
0x2e: {  	s3 =	simm.s32 @!p0 $0x1082;
	s9 =	sld [smem:$0x3FB1]  }
0x2f: {  	lr =	sadd.s32 s0, s3;
	s0 =	sld [smem:$0x3FA8]  }
0x30: {  	s3 =	sld [smem:$0x3FAB]  }
0x31: {  	[smem:$0x3FB4] =	sst s10  }
0x32: {  	s10 =	sld [smem:$0x3FB2];
	_ =	sdelay $0x3  }
0x33: {  	p0 =	seq.s32 s10, $0x1;
	s10 =	sld [smem:$0x3FB4];
	_ =	sdelay $0x3  }
0x34: {  	[smem:$0x3FB4] =	sst s10  }
0x35: {  	s10 =	sld [smem:$0x3FB3];
	_ =	sdelay $0x3  }
0x36: {  	p1 =	seq.s32 s10, $0x1;
	s10 =	sld [smem:$0x3FB4];
	_ =	sdelay $0x3  }
0x37: {  	[smem:$0x3FB4] =	sst s10  }
0x38: {  	s10 =	sld [smem:$0x3FB5]  }
0x39: {  	_ = 	snop;
	(pc) =	sbr.ind lr, $3  }
0x3a: {  	_ = 	snop  }
0x3b: {  	_ = 	snop  }
0x3c: {  	p2 =	seq.s32 s10, $0x1;
	s10 =	sld [smem:$0x3FB4]  }
0x3d: {  	_ =	shalt  }
0x3e: {  	_ =	shalt  }
0x3f: {  	_ =	shalt  }
0x40: {  	_ =	shalt  }
0x41: {  	_ =	shalt  }
0x42: {  	_ =	shalt  }
0x43: {  	_ =	shalt  }
0x44: {  	_ =	shalt  }
0x45: {  	_ =	shalt  }
0x46: {  	_ =	shalt  }
0x47: {  	_ =	shalt  }
0x48: {  	_ =	shalt  }
0x49: {  	_ =	shalt  }
0x4a: {  	_ =	shalt  }
0x4b: {  	_ =	shalt  }
0x4c: {  	_ =	shalt  }
0x4d: {  	_ =	shalt  }
0x4e: {  	_ =	shalt  }
0x4f: {  	_ =	shalt  }
0x50: {  	_ =	shalt  }
0x51: {  	_ =	shalt  }
0x52: {  	_ =	shalt  }
0x53: {  	_ =	shalt  }
0x54: {  	_ =	shalt  }
0x55: {  	_ =	shalt  }
0x56: {  	_ =	shalt  }
0x57: {  	_ =	shalt  }
0x58: {  	_ =	shalt  }
0x59: {  	_ =	shalt  }
0x5a: {  	_ =	shalt  }
0x5b: {  	_ =	shalt  }
0x5c: {  	_ =	shalt  }
0x5d: {  	_ =	shalt  }
0x5e: {  	_ =	shalt  }
0x5f: {  	_ =	shalt  }
0x60: {  	_ =	shalt  }
0x61: {  	_ =	shalt  }
0x62: {  	_ =	shalt  }
0x63: {  	_ =	shalt  }
0x64: {  	_ =	shalt  }
0x65: {  	_ =	shalt  }
0x66: {  	_ =	shalt  }
0x67: {  	_ =	shalt  }
0x68: {  	_ =	shalt  }
0x69: {  	_ =	shalt  }
0x6a: {  	_ =	shalt  }
0x6b: {  	_ =	shalt  }
0x6c: {  	_ =	shalt  }
0x6d: {  	_ =	shalt  }
0x6e: {  	_ =	shalt  }
0x6f: {  	_ =	shalt  }
0x70: {  	_ =	shalt  }
0x71: {  	_ =	shalt  }
0x72: {  	_ =	shalt  }
0x73: {  	_ =	shalt  }
0x74: {  	_ =	shalt  }
0x75: {  	_ =	shalt  }
0x76: {  	_ =	shalt  }
0x77: {  	_ =	shalt  }
0x78: {  	_ =	shalt  }
0x79: {  	_ =	shalt  }
0x7a: {  	_ =	shalt  }
0x7b: {  	_ =	shalt  }
0x7c: {  	_ =	shalt  }
0x7d: {  	_ =	shalt  }
0x7e: {  	_ =	shalt  }
0x7f: {  	_ =	shalt  }
0x80: {  	_ =	shalt  }
0x81: {  	_ =	shalt  }
0x82: {  	_ =	shalt  }
0x83: {  	_ =	shalt  }
0x84: {  	_ =	shalt  }
0x85: {  	_ =	shalt  }
0x86: {  	_ =	shalt  }
0x87: {  	_ =	shalt  }
.Lfunc_end0:
.L_simem_size_0:
called_computation.3_lowered:
.L_overlay_start_0:
0x88: {  	s2 =	sld [smem:$0x3FD9]  }
0x89: {  	s3 =	sld [smem:$0x3FFE];
	_ =	sdelay $0x1  }
0x8a: {  	s1 =	srdreg.scid  }
0x8b: {  	s0 =	sand.u32 $0x1, s1  }
0x8c: {  	s17 =	sshll.u32 s0, $0xA;
	s2 =	sadd.s32 s3, s2  }
0x8d: {  	s2 =	sadd.s32 s2, s17  }
0x8e: {  	[smem:$0x3FC0] =	sst s2  }
0x8f: {  	_ = 	snop  }
0x90: {  	s2 =	sld [smem:$0x3FD0];
	(tm) =	ssettm $0x1  }
0x91: {  	s18 =	sld [smem:$0x3FFB];
	_ =	sdelay $0x3  }
0x92: {  	_ =	strace s18  }
0x93: {  	s3 =	sld [smem:$0x3FFC];
	_ =	sdelay $0x3  }
0x94: {  	_ =	strace s3  }
0x95: {  	s3 =	sld [smem:$0x3FFD];
	_ =	sdelay $0x3  }
0x96: {  	_ =	strace s3  }
0x97: {  	_ =	strace $0x8FFFFFFF  }
0x98: {  	s19 =	sld [smem:$0x3FDB];
	_ =	sdelay $0x1  }
0x99: {  	s4 =	simm.s32 $_scs_section_size  }
0x9a: {  	s5 =	simm.s32 $_size__tile_overlayer_lowered;
	s6 =	simm.s32 $_tile_overlayer_lowered  }
0x9b: {  	s22 =	simm.s32 $0x1BFF;
	s21 =	sshll.u32 s6, $0x1;
	s3 =	sadd.s32 s4, s19  }
0x9c: {  	s7 =	simm.s32 $0x0;
	s20 =	sshll.u32 s5, $0x1;
	s5 =	sadd.s32 s21, s3  }
0x9d: {  	[timem:s7], [sflag:s22] =	dma.local [hbm:s5], s20  }
0x9e: {  	_ =	swait.ge [sflag:s22], s20  }
0x9f: {  	s4 =	ssub.s32 $0x0, s20;
	[sflag:s22] =	ssyncset.done $0x0  }
0xa0: {  	[sflag:s22] =	ssyncadd.s32 s4;
	_ =	sdelay $0x1  }
0xa1: {  	s23 =	simm.s32 $0x1B8B  }
0xa2: {  	_ =	swait.ge [sflag:s23], $0x1  }
0xa3: {  	[sflag:s23] =	ssyncset.done $0x0  }
0xa4: {  	s25 =	simm.s32 $0x1B8E;
	s24 =	sld [smem:$0x3FFE];
	[sflag:s23] =	ssyncadd.s32 $0xFFFFFFFF  }
0xa5: {  	s26 =	simm.s32 $execute0_lowered;
	[smem:$0x3FD2] =	sst s25  }
0xa6: {  	s5 =	sshll.u32 s26, $0x1;
	_ =	strace $0x8000004F;
	[dreg:$0x1] =	wrdreg $0xFFFFFFFF  }
0xa7: {  	s28 =	simm.s32 $_size_execute0_lowered;
	s3 =	sadd.s32 s3, s5;
	[dreg:$0x0] =	wrdreg $0x0  }
0xa8: {  	s5 =	sshll.u32 s28, $0x1;
	[dreg:$0x2] =	wrdreg s3  }
0xa9: {  	[dreg:$0x3] =	wrdreg s5  }
0xaa: {  	[dreg:$0x4] =	wrdreg $0xC0  }
0xab: {  	_ =	task [dreg:s7], $0x5FFFF  }
0xac: {  	[dreg:$0x1] =	wrdreg $0xFFFFFFFF  }
0xad: {  	[dreg:$0x0] =	wrdreg $0x60  }
0xae: {  	[dreg:$0x2] =	wrdreg s2  }
0xaf: {  	[dreg:$0x3] =	wrdreg s24  }
0xb0: {  	[dreg:$0x4] =	wrdreg $0x41000  }
0xb1: {  	[dreg:$0x5] =	wrdreg $0x9  }
0xb2: {  	_ =	task.clear_ibuf [dreg:s7], $0x6FFFF;
	_ =	strace $0x9000004F  }
0xb3: {  	s29 =	simm.s32 $0x9;
	_ =	strace $0x80000051  }
0xb4: {  	_ =	swait.ge [sflag:s29], $0x1  }
0xb5: {  	[sflag:s29] =	ssyncadd.s32 $0xFFFFFFFF  }
0xb6: {  	_ =	strace $0x90000051  }
0xb7: {  	_ =	sfence  }
0xb8: {  	s30 =	sld [smem:$0x0];
	_ =	sdelay $0x2  }
0xb9: {  	s31 =	sshll.u32 s1, $0xD;
	s1 =	sshrl.u32 s1, $0x2  }
0xba: {  	s3 =	sand.u32 $0x4000, s31;
	s1 =	sadd.s32 s1, s30  }
0xbb: {  	s0 =	sor.u32 s3, s0;
	s1 =	sshll.u32 s1, $0x11  }
0xbc: {  	s0 =	sor.u32 s1, s0  }
0xbd: {  	s0 =	sadd.s32 $0x8F2B, s0  }
0xbe: {  	[sflag:s0] =	ssyncadd.remote.s32 $0x1  }
0xbf: {  	_ =	sfence.sel $0xFFFF  }
0xc0: {  	[dreg:$0x0] =	wrdreg $0xFFFFFFFF;
	(pc) =	sbr.abs _section_cstart, $3  }
0xc1: {  	[dreg:$0x1] =	wrdreg $0xFFFFFFFF  }
0xc2: {  	_ =	task.clear_ibuf [dreg:s7], $0x2FFFF;
	_ =	strace $0x9FFFFFFF  }
0xc3: {  	(tm) =	ssettm $0x7FFFFFFF  }
tec
execute0_lowered:
.L_overlay_start_1:
0x0: {  	(tag) =	ssettag $0x1  }
0x1: {  	s2 =	rddreg [dreg:$0x0]  }
0x2: {  	s5 =	rddreg [dreg:$0x1]  }
0x3: {  	s3 =	rddreg [dreg:$0x2];
	s1 =	stileid.u32  }
0x4: {  	s0 =	rddreg [dreg:$0x3];
	s7 =	smul.u32 $0x3D, s1  }
0x5: {  	s6 =	srdreg.scid;
	s4 =	simm.s32 $0x0;
	s8 =	smul.u32 $0x61, s1  }
0x6: {  	s13 =	simm.s32 $0x2;
	s6 =	sand.u32 $0x1, s6;
	s26 =	smul.u32 $0x2780, s1  }
0x7: {  	[smem:$0x7FF] =	sst s4;
	s28 =	smul.u32 $0x4F000, s1;
	s31 =	sshll.u32 s1, $0x6  }
0x8: {  	p0 =	seq.s32 s6, $0x0;
	_ =	strace $0x80000050;
	s9 =	smul.u32 $0x27800, s6  }
0x9: {  	s6 =	ssub.s32 $0x2, s6;
	s7 =	sadd.s32 $0x610, s7;
	s10 =	sadd.s32 s26, s5  }
0xa: {  	s29 =	sshrl.u32 s6, $0x1;
	s30 =	sshrl.u32 s28, $0x2;
	s7 =	smov.u32 @p0 s8  }
0xb: {  	s8 =	sadd.s32 s26, s9;
	s9 =	ssub.s32 s6, s29;
	s12 =	sadd.s32 s30, s3  }
0xc: {  	s6 =	sadd.s32 $0xE600, s10;
	s7 =	sshll.u32 s7, $0x4;
	s8 =	sadd.s32 s8, s5  }
0xd: {  	s9 =	smax.u32 s9, $0x1;
	s12 =	sshrl.u32 s12, $0x3;
	s11 =	sadd.s32 s7, s5  }
0xe: {  	s5 =	simm.s32 $0x61;
	s7 =	sor.u32 $0x1C02, s31;
	s8 =	sadd.s32 $0x8EC00, s8  }
0xf: {  	s5 =	simm.s32 @!p0 $0x3D;
	s10 =	sadd.s32 $0x4800, s11;
	s11 =	sadd.s32 $0x84E00, s11  }
.LBB2_1:
0x10: {  	[spmem:s12], [sflag:s7] =	dma.local [hbm:s6], $0x2780  }
0x11: {  	_ =	swait.ge [sflag:s13], $0x2780  }
0x12: {  	[sflag:s13] =	ssyncset.done $0x0  }
0x13: {  	p0 =	sle.u32 s5, $0x0;
	[sflag:s13] =	ssyncadd.s32 $0xFFFFD880  }
0x14: {  	s14 =	simm.s32 @!p0 $0x0;
	s15 =	simm.s32 @!p0 $0x3;
	[bflag:$0x0] =	sbarrier.arrive $0xFFFF  }
0x15: {  	[tilespmem:s14], [sflag:$0x3] =	stream.linear.gather @!p0 [hbm4b:s11+s14], $0x80, $0x38;
	[tilespmem:$0x17D00] =	vst v63  }
0x16: {  	_ =	swait.ge @!p0 [sflag:s15], $0x80  }
0x17: {  	[sflag:s15] =	ssyncset.done @!p0 $0x0;
	p0 =	por p0, p0  }
0x18: {  	[sflag:s15] =	ssyncadd.s32 @!p0 $0xFFFFFF80;
	s16 =	simm.s32 @!p0 $0x80  }
0x19: {  	[tilespmem:s16], [sflag:$0x3] =	stream.linear.gather @!p0 [hbm4b:s10+s14], $0x80, $0x38;
	[tilespmem:$0x17D00] =	vst v63  }
0x1a: {  	_ =	swait.ge @!p0 [sflag:s15], $0x80  }
0x1b: {  	[sflag:s15] =	ssyncset.done @!p0 $0x0  }
0x1c: {  	s17 =	simm.s32 @!p0 $0x1;
	[sflag:s15] =	ssyncadd.s32 @!p0 $0xFFFFFF80;
	s15 =	simm.s32 @!p0 $0x100  }
0x1d: {  	[tilespmem:s15], [sflag:$0x1] =	stream.indirect.gather @!p0 [hbm4b:s2+s16], $0x80, s14, s16, $0xb8;
	[tilespmem:$0x17D00] =	vst v63  }
0x1e: {  	_ =	swait.ge @!p0 [sflag:s17], $0x4000  }
0x1f: {  	[sflag:s17] =	ssyncset.done @!p0 $0x0  }
0x20: {  	[sflag:s17] =	ssyncadd.s32 @!p0 $0xFFFFC000;
	s17 =	simm.s32 @!p0 $0x2  }
0x21: {  	[spmem:s3] =	stream.indirect.scatter.add.f32 @!p0 [tilespmem:s15], [sflag:$0x2], $0x80, s16, s16, $0xb8;
	[tilespmem:$0x17D00] =	vst v63  }
0x22: {  	p2 =	sle.u32 s5, $0x1;
	s14 =	sadd.s32 $0x10, s10;
	_ =	swait.ge @!p0 [sflag:s17], $0x4000  }
0x23: {  	s16 =	simm.s32 $0x2;
	s15 =	sadd.s32 $0x10, s11;
	[sflag:s17] =	ssyncset.done @!p0 $0x0  }
.LBB2_2:
0x24: {  	s18 =	simm.s32 @!p2 $0x0;
	s19 =	simm.s32 @!p2 $0x3;
	[sflag:s17] =	ssyncadd.s32 @!p0 $0xFFFFC000  }
0x25: {  	[tilespmem:s18], [sflag:$0x3] =	stream.linear.gather @!p2 [hbm4b:s15+s18], $0x80, $0x38;
	[tilespmem:$0x17D00] =	vst v63  }
0x26: {  	s20 =	smov.u32 s16;
	s16 =	sadd.s32 $0x1, s16;
	_ =	swait.ge @!p2 [sflag:s19], $0x80  }
0x27: {  	p0 =	por p2, p2;
	p1 =	sne.s32 s16, $0x61;
	[sflag:s19] =	ssyncset.done @!p2 $0x0  }
0x28: {  	s21 =	simm.s32 @!p0 $0x80;
	[sflag:s19] =	ssyncadd.s32 @!p0 $0xFFFFFF80  }
0x29: {  	[tilespmem:s21], [sflag:$0x3] =	stream.linear.gather @!p0 [hbm4b:s14+s18], $0x80, $0x38;
	[tilespmem:$0x17D00] =	vst v63  }
0x2a: {  	_ =	swait.ge @!p0 [sflag:s19], $0x80  }
0x2b: {  	[sflag:s19] =	ssyncset.done @!p0 $0x0  }
0x2c: {  	s17 =	simm.s32 @!p0 $0x1;
	[sflag:s19] =	ssyncadd.s32 @!p0 $0xFFFFFF80;
	s19 =	simm.s32 @!p0 $0x100  }
0x2d: {  	[tilespmem:s19], [sflag:$0x1] =	stream.indirect.gather @!p0 [hbm4b:s2+s21], $0x80, s18, s21, $0xb8;
	[tilespmem:$0x17D00] =	vst v63  }
0x2e: {  	_ =	swait.ge @!p0 [sflag:s17], $0x4000  }
.Ltmp0:
0x2f: {  	[sflag:s17] =	ssyncset.done @!p0 $0x0;
	(pc) =	sbr.rel @p1 .LBB2_2-.Ltmp0, $4  }
0x30: {  	[sflag:s17] =	ssyncadd.s32 @!p0 $0xFFFFC000;
	s17 =	simm.s32 @!p0 $0x2  }
0x31: {  	[spmem:s3] =	stream.indirect.scatter.add.f32 @!p0 [tilespmem:s19], [sflag:$0x2], $0x80, s21, s21, $0xb8;
	[tilespmem:$0x17D00] =	vst v63  }
0x32: {  	s15 =	sadd.s32 $0x10, s15;
	_ =	swait.ge @!p0 [sflag:s17], $0x4000  }
0x33: {  	p2 =	sge.u32 s20, s5;
	s14 =	sadd.s32 $0x10, s14;
	[sflag:s17] =	ssyncset.done @!p0 $0x0  }
0x34: {  	s16 =	simm.s32 @!p2 $0x0;
	s18 =	simm.s32 @!p2 $0x3;
	[sflag:s17] =	ssyncadd.s32 @!p0 $0xFFFFC000  }
0x35: {  	[tilespmem:s16], [sflag:$0x3] =	stream.linear.gather @!p2 [hbm4b:s15+s16], $0x80, $0x38;
	[tilespmem:$0x17D00] =	vst v63  }
0x36: {  	_ =	swait.ge @!p2 [sflag:s18], $0x80  }
0x37: {  	p0 =	por p2, p2;
	[sflag:s18] =	ssyncset.done @!p2 $0x0  }
0x38: {  	s15 =	simm.s32 @!p0 $0x80;
	[sflag:s18] =	ssyncadd.s32 @!p0 $0xFFFFFF80  }
0x39: {  	[tilespmem:s15], [sflag:$0x3] =	stream.linear.gather @!p0 [hbm4b:s14+s16], $0x80, $0x38;
	[tilespmem:$0x17D00] =	vst v63  }
0x3a: {  	_ =	swait.ge @!p0 [sflag:s18], $0x80  }
0x3b: {  	[sflag:s18] =	ssyncset.done @!p0 $0x0  }
0x3c: {  	s17 =	simm.s32 @!p0 $0x1;
	s14 =	simm.s32 @!p0 $0x100;
	[sflag:s18] =	ssyncadd.s32 @!p0 $0xFFFFFF80  }
0x3d: {  	[tilespmem:s14], [sflag:$0x1] =	stream.indirect.gather @!p0 [hbm4b:s2+s15], $0x80, s16, s15, $0xb8;
	[tilespmem:$0x17D00] =	vst v63  }
0x3e: {  	_ =	swait.ge @!p0 [sflag:s17], $0x4000  }
0x3f: {  	[sflag:s17] =	ssyncset.done @!p0 $0x0  }
0x40: {  	s16 =	simm.s32 @!p0 $0x2;
	[sflag:s17] =	ssyncadd.s32 @!p0 $0xFFFFC000  }
0x41: {  	[spmem:s3] =	stream.indirect.scatter.add.f32 @!p0 [tilespmem:s14], [sflag:$0x2], $0x80, s15, s15, $0xb8;
	[tilespmem:$0x17D00] =	vst v63  }
0x42: {  	_ =	swait.ge @!p0 [sflag:s16], $0x4000  }
0x43: {  	s4 =	sadd.s32 $0x1, s4;
	[sflag:s16] =	ssyncset.done @!p0 $0x0  }
0x44: {  	[sflag:s16] =	ssyncadd.s32 @!p0 $0xFFFFC000;
	p0 =	sne.s32 s4, s9  }
.Ltmp1:
0x45: {  	[bflag:$0x0] =	sbarrier.arrive $0xFFFF;
	(pc) =	sbr.rel @p0 .LBB2_1-.Ltmp1, $4  }
0x46: {  	[hbm:s8], [sflag:s7] =	dma.local [spmem:s12], $0x2780  }
0x47: {  	_ =	swait.ge [sflag:s13], $0x2780  }
0x48: {  	[sflag:s13] =	ssyncset.done $0x0  }
0x49: {  	[sflag:s13] =	ssyncadd.s32 $0xFFFFD880  }
0x4a: {  	_ =	sfence.sel $0x180000  }
0x4b: {  	[bflag:$0x0] =	sbarrier.arrive $0xFFFF  }
0x4c: {  	p0 =	sne.s32 s1, $0x0;
	_ =	strace $0x90000050  }
0x4d: {  	s0 =	sadd.s32 @!p0 $0x100000, s0;
	[bflag:$0x2] =	sbarrier.arrive $0xFFFF  }
0x4e: {  	[sflag:s0] =	ssyncadd.tile.s32 @!p0 $0x1;
	_ =	shalt  }
.Lfunc_end2:
_tile_overlayer_lowered:
.L_overlay_start_2:
0x4f: {  	(tag) =	ssettag $0x2  }
0x50: {  	s0 =	rddreg [dreg:$0x0];
	s2 =	stileid.u32  }
0x51: {  	s1 =	rddreg [dreg:$0x1];
	p0 =	sne.s32 s2, $0x0  }
0x52: {  	s3 =	rddreg [dreg:$0x2];
	[bflag:$0x3] =	sbarrier.arrive $0xFFFF;
	s2 =	simm.s32 @!p0 $0x1C02  }
0x53: {  	[timem:s3], [sflag:s2] =	dma.local @!p0 [hbm:s0], s1  }
0x54: {  	s0 =	simm.s32 @!p0 $0x2  }
0x55: {  	_ =	swait.ge @!p0 [sflag:s0], s1  }
0x56: {  	s1 =	ssub.s32 @!p0 $0x0, s1;
	[sflag:s0] =	ssyncset.done @!p0 $0x0  }
0x57: {  	[sflag:s0] =	ssyncadd.s32 @!p0 s1  }
0x58: {  	[bflag:$0x3] =	sbarrier.arrive $0xFFFF  }
0x59: {  	_ =	shalt  }

</sc_bundles>
